<compile_context>
chip_gen: v7x
topology: tpu7x:2x2x1
jax: 0.10.2.dev20260603
libtpu: 0.0.44.dev20260713+nightly
codegen_flags: <defaults>
</compile_context>

<pallas_src>
import jax
import jax.numpy as jnp
from jax import lax
from jax.experimental import pallas as pl
from jax.experimental.pallas import tpu as pltpu
from jax.experimental.pallas import tpu_sc as plsc

NBINS = 1792
NROWS = 2 * NBINS
LSTRIDE = NROWS + 1
HSIZE = 16 * LSTRIDE
NW = 32
NPIX = 8 * 512 * 512
PER_W = NPIX // NW
CHUNK = 2048
WORDS_W = PER_W // 2
NCHUNK = WORDS_W // CHUNK
NRING = 4


def _prep_body(lref, tref, kref):
    l0 = lref[0, 0]
    l1 = lref[0, 1]
    t = tref[0]
    p = 1.0 / (1.0 + jnp.exp(l0 - l1))
    e = jnp.abs(t.astype(jnp.float32) - p)
    b = jnp.minimum((e * float(NBINS)).astype(jnp.int32), NBINS - 1)
    lane = jax.lax.broadcasted_iota(jnp.int32, (128, 512), 1) & 15
    addr = lane * LSTRIDE + t * NBINS + b
    kref[0] = addr[:, :256] | (addr[:, 256:] << 16)


def _prep(logits, t32):
    return pl.pallas_call(
        _prep_body,
        grid=(8, 4),
        in_specs=[
            pl.BlockSpec((1, 2, 128, 512), lambda s, h: (s, 0, h, 0)),
            pl.BlockSpec((1, 128, 512), lambda s, h: (s, h, 0)),
        ],
        out_specs=pl.BlockSpec((1, 128, 256), lambda s, h: (s, h, 0)),
        out_shape=jax.ShapeDtypeStruct((8, 512, 256), jnp.int32),
    )(logits, t32)


def _hist_body(keys, out, kb0, kb1, kb2, kb3, cnt_v, red_v,
               ks0, ks1, ks2, ks3):
    wid = lax.axis_index("s") * 2 + lax.axis_index("c")
    base = wid * WORDS_W
    zeros16 = jnp.zeros((16,), jnp.float32)
    ones16 = jnp.ones((16,), jnp.float32)
    kbufs, ksems = (kb0, kb1, kb2, kb3), (ks0, ks1, ks2, ks3)

    def start(c):
        b = c % NRING
        off = pl.multiple_of(base + c * CHUNK, CHUNK)
        return pltpu.async_copy(keys.at[pl.ds(off, CHUNK)], kbufs[b], ksems[b])

    handles = {c: start(c) for c in range(min(NRING - 1, NCHUNK))}

    def zbody(i, _):
        cnt_v[pl.ds(i * 16, 16)] = zeros16
        return 0

    lax.fori_loop(0, HSIZE // 16, zbody, 0)

    for c in range(NCHUNK):
        handles.pop(c).wait()
        if c + NRING - 1 < NCHUNK:
            handles[c + NRING - 1] = start(c + NRING - 1)
        kb = kbufs[c % NRING]

        @plsc.parallel_loop(0, CHUNK // 16, 1, unroll=8)
        def _(i, kb=kb):
            w = kb[pl.ds(i * 16, 16)]
            klo = w & 0xFFFF
            khi = lax.shift_right_logical(w, 16)
            plsc.addupdate_scatter(cnt_v, [klo], ones16)
            plsc.addupdate_scatter(cnt_v, [khi], ones16)

    @plsc.parallel_loop(0, NROWS // 16, 1, unroll=2)
    def _(g):
        acc = cnt_v[pl.ds(g * 16, 16)]
        for l in range(1, 16):
            acc = acc + cnt_v[pl.ds(l * LSTRIDE + g * 16, 16)]
        red_v[pl.ds(g * 16, 16)] = acc

    pltpu.sync_copy(red_v, out.at[wid])


def _hist(keys_f):
    return pl.kernel(
        _hist_body,
        out_type=jax.ShapeDtypeStruct((NW, NROWS), jnp.float32),
        mesh=plsc.VectorSubcoreMesh(core_axis_name="c", subcore_axis_name="s"),
        compiler_params=pltpu.CompilerParams(needs_layout_passes=False),
        scratch_types=[
            pltpu.VMEM((CHUNK,), jnp.int32),
            pltpu.VMEM((CHUNK,), jnp.int32),
            pltpu.VMEM((CHUNK,), jnp.int32),
            pltpu.VMEM((CHUNK,), jnp.int32),
            pltpu.VMEM((HSIZE,), jnp.float32),
            pltpu.VMEM((NROWS,), jnp.float32),
            pltpu.SemaphoreType.DMA,
            pltpu.SemaphoreType.DMA,
            pltpu.SemaphoreType.DMA,
            pltpu.SemaphoreType.DMA,
        ],
    )(keys_f)


def _final_body(href, oref):
    h = href[...]
    col = jax.lax.broadcasted_iota(jnp.int32, (8, NW), 1)
    srow = jax.lax.broadcasted_iota(jnp.int32, (8, NW), 0)
    sel = ((col // 4) == srow).astype(jnp.float32)
    dot = lambda a, b: jax.lax.dot_general(
        a, b, (((1,), (0,)), ((), ())),
        preferred_element_type=jnp.float32,
        precision=jax.lax.Precision.HIGHEST)
    cnt = dot(sel, h)
    Q = cnt[:, :NBINS]
    P = cnt[:, NBINS:]
    G = jnp.sum(P, axis=1, keepdims=True)
    ctr = (jax.lax.broadcasted_iota(jnp.int32, (8, NBINS), 1).astype(
        jnp.float32) + 0.5) / float(NBINS)
    SQ = Q * ctr
    SP = P * ctr
    X = jnp.concatenate([Q, P], axis=0)
    u = jax.lax.broadcasted_iota(jnp.int32, (NBINS, NBINS), 0)
    t = jax.lax.broadcasted_iota(jnp.int32, (NBINS, NBINS), 1)
    UT = (u > t).astype(jnp.float32)
    MF = dot(X, UT)
    M = MF[:8]
    F = MF[8:]
    pos_den = jnp.maximum(G + M + 0.5 * Q, 1.0)
    posv = jnp.sum(SP / pos_den, axis=1, keepdims=True)
    d1 = jnp.maximum(G + M, 0.5)
    d2 = jnp.maximum(G + M + Q, 0.5)
    negv = jnp.sum(SQ * (G - F - 0.5 * P) / (d1 * d2), axis=1, keepdims=True)
    lossv = posv + negv
    tb = jax.lax.broadcasted_iota(jnp.int32, (8, NBINS), 1)
    maxb = jnp.max(jnp.where(Q > 0, (tb + 1).astype(jnp.float32), 0.0),
                   axis=1, keepdims=True) / float(NBINS)
    lossv = jnp.where(G > 0.5, lossv, maxb)
    oref[...] = jnp.mean(lossv, keepdims=True)


def _final(hw):
    return pl.pallas_call(
        _final_body,
        out_shape=jax.ShapeDtypeStruct((1, 1), jnp.float32),
    )(hw)


def kernel(logits, targets):
    t32 = targets.astype(jnp.int32)
    packed = _prep(logits, t32)
    hist = _hist(packed.reshape(-1))
    loss = _final(hist)
    return loss[0, 0]

# --- scband reference (transcript-rebuilt; emitter-appended) ---
"""Pipeline reference for scband-lovasz-softmax-29686813950386 (READ-ONLY COPY).

The authoritative reference and input builder live on the scoring server;
editing this copy changes nothing except your own understanding.
"""

import jax, jax.numpy as jnp
import numpy as np


def setup_inputs(seed: int = 0) -> dict:
    key = jax.random.key(seed)
    k1, k2 = jax.random.split(key)
    logits = jax.random.normal(k1, (8, 2, 512, 512), dtype=jnp.float32)
    targets = jax.random.randint(k2, (8, 512, 512), 0, 2).astype(jnp.int64)
    return {"logits": logits, "targets": targets}


def reference(logits, targets):
    # softmax over class dim, take foreground prob (class 1)
    probs = jax.nn.softmax(logits, axis=1)
    fg_prob = probs[:, 1]  # [B, H, W]
    B = fg_prob.shape[0]
    prob_flat = fg_prob.reshape(B, -1)
    label_flat = targets.reshape(B, -1).astype(jnp.float32)
    errors = jnp.abs(label_flat - prob_flat)
    # descending sort per sample; perm is non-differentiable (matches perm.detach())
    perm = jnp.argsort(-errors, axis=1)
    errors_sorted = jnp.take_along_axis(errors, perm, axis=1)
    gt_sorted = jnp.take_along_axis(label_flat, perm, axis=1)
    # Lovasz gradient of Jaccard w.r.t. sorted errors
    gts = jnp.sum(gt_sorted, axis=1, keepdims=True)
    intersection = gts - jnp.cumsum(gt_sorted, axis=1)
    union = gts + jnp.cumsum(1.0 - gt_sorted, axis=1)
    jaccard = 1.0 - intersection / union
    grad = jnp.concatenate([jaccard[:, :1], jaccard[:, 1:] - jaccard[:, :-1]], axis=1)
    losses = jnp.sum(jax.nn.relu(errors_sorted) * grad, axis=1)
    return jnp.mean(losses)

if __name__ == "__main__":
    import jax
    _d = setup_inputs()
    print(jax.jit(kernel)(*tuple(_d.values())))

</pallas_src>

<mosaic_0001>
#map = affine_map<(d0, d1) -> (0)>
#map1 = affine_map<(d0, d1) -> (0, 0)>
module attributes {stable_mosaic.version = 14 : i64} {
  func.func @_hist_body(%arg0: i32, %arg1: i32, %arg2: memref<1048576xi32, #tpu.memory_space<hbm>>, %arg3: memref<32x3584xf32, #tpu.memory_space<hbm>>, %arg4: memref<2048xi32, #tpu.memory_space<vmem>>, %arg5: memref<2048xi32, #tpu.memory_space<vmem>>, %arg6: memref<2048xi32, #tpu.memory_space<vmem>>, %arg7: memref<2048xi32, #tpu.memory_space<vmem>>, %arg8: memref<57360xf32, #tpu.memory_space<vmem>>, %arg9: memref<3584xf32, #tpu.memory_space<vmem>>, %arg10: memref<!tpu.dma_semaphore, #tpu.memory_space<semaphore_mem>>, %arg11: memref<!tpu.dma_semaphore, #tpu.memory_space<semaphore_mem>>, %arg12: memref<!tpu.dma_semaphore, #tpu.memory_space<semaphore_mem>>, %arg13: memref<!tpu.dma_semaphore, #tpu.memory_space<semaphore_mem>>) attributes {dimension_semantics = [#tpu.dimension_semantics<core_parallel>, #tpu.dimension_semantics<subcore_parallel>], iteration_bounds = array<i64: 2, 16>, scalar_prefetch = 0 : i64, scratch_operands = 10 : i64, tpu.core_type = #tpu.core_type<sc_vector_subcore>, window_params = [{transform_indices = #map}, {transform_indices = #map1}]} {
    %mul3A = arith.constant 2 : i32
    %mul3A_0 = arith.muli %arg1, %mul3A : i32
    %add3A = arith.addi %mul3A_0, %arg0 : i32
    %mul3A_1 = arith.constant 32768 : i32
    %mul3A_2 = arith.muli %add3A, %mul3A_1 : i32
    %broadcast_in_dim3A = arith.constant 0.000000e+00 : f32
    %broadcast_in_dim3A_3 = vector.broadcast %broadcast_in_dim3A : f32 to vector<16xf32>
    %broadcast_in_dim3A_4 = arith.constant 1.000000e+00 : f32
    %broadcast_in_dim3A_5 = vector.broadcast %broadcast_in_dim3A_4 : f32 to vector<16xf32>
    %add3A_6 = arith.constant 0 : i32
    %add3A_7 = arith.addi %mul3A_2, %add3A_6 : i32
    %multiple_of3A = tpu.assume_multiple %add3A_7, 2048 : i32
    %dma_start3A = tpu.memref_slice %arg2[%multiple_of3A] : memref<1048576xi32, #tpu.memory_space<hbm>> -> memref<2048xi32, #tpu.memory_space<hbm>>
    %dma_start3A_8 = tpu.memref_slice %arg2[%multiple_of3A] : memref<1048576xi32, #tpu.memory_space<hbm>> -> memref<2048xi32, #tpu.memory_space<hbm>>
    tpu.enqueue_dma source(%dma_start3A_8 : memref<2048xi32, #tpu.memory_space<hbm>>) target(%arg4 : memref<2048xi32, #tpu.memory_space<vmem>>) target_semaphore(%arg10 : memref<!tpu.dma_semaphore, #tpu.memory_space<semaphore_mem>>)
    %add3A_9 = arith.constant 2048 : i32
    %add3A_10 = arith.addi %mul3A_2, %add3A_9 : i32
    %multiple_of3A_11 = tpu.assume_multiple %add3A_10, 2048 : i32
    %dma_start3A_12 = tpu.memref_slice %arg2[%multiple_of3A_11] : memref<1048576xi32, #tpu.memory_space<hbm>> -> memref<2048xi32, #tpu.memory_space<hbm>>
    %dma_start3A_13 = tpu.memref_slice %arg2[%multiple_of3A_11] : memref<1048576xi32, #tpu.memory_space<hbm>> -> memref<2048xi32, #tpu.memory_space<hbm>>
    tpu.enqueue_dma source(%dma_start3A_13 : memref<2048xi32, #tpu.memory_space<hbm>>) target(%arg5 : memref<2048xi32, #tpu.memory_space<vmem>>) target_semaphore(%arg11 : memref<!tpu.dma_semaphore, #tpu.memory_space<semaphore_mem>>)
    %add3A_14 = arith.constant 4096 : i32
    %add3A_15 = arith.addi %mul3A_2, %add3A_14 : i32
    %multiple_of3A_16 = tpu.assume_multiple %add3A_15, 2048 : i32
    %dma_start3A_17 = tpu.memref_slice %arg2[%multiple_of3A_16] : memref<1048576xi32, #tpu.memory_space<hbm>> -> memref<2048xi32, #tpu.memory_space<hbm>>
    %dma_start3A_18 = tpu.memref_slice %arg2[%multiple_of3A_16] : memref<1048576xi32, #tpu.memory_space<hbm>> -> memref<2048xi32, #tpu.memory_space<hbm>>
    tpu.enqueue_dma source(%dma_start3A_18 : memref<2048xi32, #tpu.memory_space<hbm>>) target(%arg6 : memref<2048xi32, #tpu.memory_space<vmem>>) target_semaphore(%arg12 : memref<!tpu.dma_semaphore, #tpu.memory_space<semaphore_mem>>)
    %scan3A = arith.constant 0 : i32
    %scan3A_19 = arith.constant 0 : i32
    %scan3A_20 = arith.constant 3585 : i32
    %scan3A_21 = arith.addi %scan3A_19, %scan3A_20 : i32
    %scan3A_22 = arith.constant 1 : i32
    %scan3A_23 = scf.for %scan3A_171 = %scan3A_19 to %scan3A_21 step %scan3A_22 iter_args(%scan3A_172 = %scan3A) -> (i32)  : i32 {
      %mul3A_173 = arith.constant 16 : i32
      %mul3A_174 = arith.muli %scan3A_171, %mul3A_173 : i32
      %swap3A = arith.index_cast %mul3A_174 : i32 to index
      %swap3A_175 = tpu.vector_load %arg8[%swap3A] {strides = array<i32>} : memref<57360xf32, #tpu.memory_space<vmem>>, vector<16xf32>,
      tpu.vector_store %arg8[%swap3A], %broadcast_in_dim3A_3 {strides = array<i32>} : memref<57360xf32, #tpu.memory_space<vmem>>, vector<16xf32>,
      %scan3A_176 = arith.constant 0 : i32
      scf.yield %scan3A_176 : i32
    }
    %scan3A_24 = arith.constant 3585 : i32
    %dma_wait3A = tpu.memref_slice %arg2[%multiple_of3A] : memref<1048576xi32, #tpu.memory_space<hbm>> -> memref<2048xi32, #tpu.memory_space<hbm>>
    %dma_wait3A_25 = tpu.memref_slice %arg2[%multiple_of3A] : memref<1048576xi32, #tpu.memory_space<hbm>> -> memref<2048xi32, #tpu.memory_space<hbm>>
    tpu.wait_dma2 semaphore(%arg10 : memref<!tpu.dma_semaphore, #tpu.memory_space<semaphore_mem>>) src(%dma_wait3A_25 : memref<2048xi32, #tpu.memory_space<hbm>>) dst(%arg4 : memref<2048xi32, #tpu.memory_space<vmem>>)
    %add3A_26 = arith.constant 6144 : i32
    %add3A_27 = arith.addi %mul3A_2, %add3A_26 : i32
    %multiple_of3A_28 = tpu.assume_multiple %add3A_27, 2048 : i32
    %dma_start3A_29 = tpu.memref_slice %arg2[%multiple_of3A_28] : memref<1048576xi32, #tpu.memory_space<hbm>> -> memref<2048xi32, #tpu.memory_space<hbm>>
    %dma_start3A_30 = tpu.memref_slice %arg2[%multiple_of3A_28] : memref<1048576xi32, #tpu.memory_space<hbm>> -> memref<2048xi32, #tpu.memory_space<hbm>>
    tpu.enqueue_dma source(%dma_start3A_30 : memref<2048xi32, #tpu.memory_space<hbm>>) target(%arg7 : memref<2048xi32, #tpu.memory_space<vmem>>) target_semaphore(%arg13 : memref<!tpu.dma_semaphore, #tpu.memory_space<semaphore_mem>>)
    %parallel_loop3A = arith.constant 0 : i32
    %parallel_loop3A_31 = arith.constant 128 : i32
    %parallel_loop3A_32 = arith.constant 1 : i32
    scf.for %parallel_loop3A_171 = %parallel_loop3A to %parallel_loop3A_31 step %parallel_loop3A_32  : i32 {
      %parallel_loop3A_172 = arith.constant 16 : i32
      %parallel_loop3A_173 = arith.muli %parallel_loop3A_171, %parallel_loop3A_172 : i32
      %parallel_loop3A_174 = arith.index_cast %parallel_loop3A_173 : i32 to index
      %parallel_loop3A_175 = tpu.vector_load %arg4[%parallel_loop3A_174] {strides = array<i32>} : memref<2048xi32, #tpu.memory_space<vmem>>, vector<16xi32>,
      %parallel_loop3A_176 = arith.constant 65535 : i32
      %parallel_loop3A_177 = vector.broadcast %parallel_loop3A_176 : i32 to vector<16xi32>
      %parallel_loop3A_178 = arith.andi %parallel_loop3A_175, %parallel_loop3A_177 : vector<16xi32>
      %parallel_loop3A_179 = arith.constant 16 : i32
      %parallel_loop3A_180 = vector.broadcast %parallel_loop3A_179 : i32 to vector<16xi32>
      %parallel_loop3A_181 = arith.shrui %parallel_loop3A_175, %parallel_loop3A_180 : vector<16xi32>
      tpu.vector_store_idx %arg8[%parallel_loop3A_178], %broadcast_in_dim3A_5 {add = true} : memref<57360xf32, #tpu.memory_space<vmem>>[vector<16xi32>], vector<16xf32>,
      tpu.vector_store_idx %arg8[%parallel_loop3A_181], %broadcast_in_dim3A_5 {add = true} : memref<57360xf32, #tpu.memory_space<vmem>>[vector<16xi32>], vector<16xf32>,
    } {sc.loop_unroll_factor = 8 : i64, sc.parallel_access}
    %dma_wait3A_33 = tpu.memref_slice %arg2[%multiple_of3A_11] : memref<1048576xi32, #tpu.memory_space<hbm>> -> memref<2048xi32, #tpu.memory_space<hbm>>
    %dma_wait3A_34 = tpu.memref_slice %arg2[%multiple_of3A_11] : memref<1048576xi32, #tpu.memory_space<hbm>> -> memref<2048xi32, #tpu.memory_space<hbm>>
    tpu.wait_dma2 semaphore(%arg11 : memref<!tpu.dma_semaphore, #tpu.memory_space<semaphore_mem>>) src(%dma_wait3A_34 : memref<2048xi32, #tpu.memory_space<hbm>>) dst(%arg5 : memref<2048xi32, #tpu.memory_space<vmem>>)
    %add3A_35 = arith.constant 8192 : i32
    %add3A_36 = arith.addi %mul3A_2, %add3A_35 : i32
    %multiple_of3A_37 = tpu.assume_multiple %add3A_36, 2048 : i32
    %dma_start3A_38 = tpu.memref_slice %arg2[%multiple_of3A_37] : memref<1048576xi32, #tpu.memory_space<hbm>> -> memref<2048xi32, #tpu.memory_space<hbm>>
    %dma_start3A_39 = tpu.memref_slice %arg2[%multiple_of3A_37] : memref<1048576xi32, #tpu.memory_space<hbm>> -> memref<2048xi32, #tpu.memory_space<hbm>>
    tpu.enqueue_dma source(%dma_start3A_39 : memref<2048xi32, #tpu.memory_space<hbm>>) target(%arg4 : memref<2048xi32, #tpu.memory_space<vmem>>) target_semaphore(%arg10 : memref<!tpu.dma_semaphore, #tpu.memory_space<semaphore_mem>>)
    %parallel_loop3A_40 = arith.constant 0 : i32
    %parallel_loop3A_41 = arith.constant 128 : i32
    %parallel_loop3A_42 = arith.constant 1 : i32
    scf.for %parallel_loop3A_171 = %parallel_loop3A_40 to %parallel_loop3A_41 step %parallel_loop3A_42  : i32 {
      %parallel_loop3A_172 = arith.constant 16 : i32
      %parallel_loop3A_173 = arith.muli %parallel_loop3A_171, %parallel_loop3A_172 : i32
      %parallel_loop3A_174 = arith.index_cast %parallel_loop3A_173 : i32 to index
      %parallel_loop3A_175 = tpu.vector_load %arg5[%parallel_loop3A_174] {strides = array<i32>} : memref<2048xi32, #tpu.memory_space<vmem>>, vector<16xi32>,
      %parallel_loop3A_176 = arith.constant 65535 : i32
      %parallel_loop3A_177 = vector.broadcast %parallel_loop3A_176 : i32 to vector<16xi32>
      %parallel_loop3A_178 = arith.andi %parallel_loop3A_175, %parallel_loop3A_177 : vector<16xi32>
      %parallel_loop3A_179 = arith.constant 16 : i32
      %parallel_loop3A_180 = vector.broadcast %parallel_loop3A_179 : i32 to vector<16xi32>
      %parallel_loop3A_181 = arith.shrui %parallel_loop3A_175, %parallel_loop3A_180 : vector<16xi32>
      tpu.vector_store_idx %arg8[%parallel_loop3A_178], %broadcast_in_dim3A_5 {add = true} : memref<57360xf32, #tpu.memory_space<vmem>>[vector<16xi32>], vector<16xf32>,
      tpu.vector_store_idx %arg8[%parallel_loop3A_181], %broadcast_in_dim3A_5 {add = true} : memref<57360xf32, #tpu.memory_space<vmem>>[vector<16xi32>], vector<16xf32>,
    } {sc.loop_unroll_factor = 8 : i64, sc.parallel_access}
    %dma_wait3A_43 = tpu.memref_slice %arg2[%multiple_of3A_16] : memref<1048576xi32, #tpu.memory_space<hbm>> -> memref<2048xi32, #tpu.memory_space<hbm>>
    %dma_wait3A_44 = tpu.memref_slice %arg2[%multiple_of3A_16] : memref<1048576xi32, #tpu.memory_space<hbm>> -> memref<2048xi32, #tpu.memory_space<hbm>>
    tpu.wait_dma2 semaphore(%arg12 : memref<!tpu.dma_semaphore, #tpu.memory_space<semaphore_mem>>) src(%dma_wait3A_44 : memref<2048xi32, #tpu.memory_space<hbm>>) dst(%arg6 : memref<2048xi32, #tpu.memory_space<vmem>>)
    %add3A_45 = arith.constant 10240 : i32
    %add3A_46 = arith.addi %mul3A_2, %add3A_45 : i32
    %multiple_of3A_47 = tpu.assume_multiple %add3A_46, 2048 : i32
    %dma_start3A_48 = tpu.memref_slice %arg2[%multiple_of3A_47] : memref<1048576xi32, #tpu.memory_space<hbm>> -> memref<2048xi32, #tpu.memory_space<hbm>>
    %dma_start3A_49 = tpu.memref_slice %arg2[%multiple_of3A_47] : memref<1048576xi32, #tpu.memory_space<hbm>> -> memref<2048xi32, #tpu.memory_space<hbm>>
    tpu.enqueue_dma source(%dma_start3A_49 : memref<2048xi32, #tpu.memory_space<hbm>>) target(%arg5 : memref<2048xi32, #tpu.memory_space<vmem>>) target_semaphore(%arg11 : memref<!tpu.dma_semaphore, #tpu.memory_space<semaphore_mem>>)
    %parallel_loop3A_50 = arith.constant 0 : i32
    %parallel_loop3A_51 = arith.constant 128 : i32
    %parallel_loop3A_52 = arith.constant 1 : i32
    scf.for %parallel_loop3A_171 = %parallel_loop3A_50 to %parallel_loop3A_51 step %parallel_loop3A_52  : i32 {
      %parallel_loop3A_172 = arith.constant 16 : i32
      %parallel_loop3A_173 = arith.muli %parallel_loop3A_171, %parallel_loop3A_172 : i32
      %parallel_loop3A_174 = arith.index_cast %parallel_loop3A_173 : i32 to index
      %parallel_loop3A_175 = tpu.vector_load %arg6[%parallel_loop3A_174] {strides = array<i32>} : memref<2048xi32, #tpu.memory_space<vmem>>, vector<16xi32>,
      %parallel_loop3A_176 = arith.constant 65535 : i32
      %parallel_loop3A_177 = vector.broadcast %parallel_loop3A_176 : i32 to vector<16xi32>
      %parallel_loop3A_178 = arith.andi %parallel_loop3A_175, %parallel_loop3A_177 : vector<16xi32>
      %parallel_loop3A_179 = arith.constant 16 : i32
      %parallel_loop3A_180 = vector.broadcast %parallel_loop3A_179 : i32 to vector<16xi32>
      %parallel_loop3A_181 = arith.shrui %parallel_loop3A_175, %parallel_loop3A_180 : vector<16xi32>
      tpu.vector_store_idx %arg8[%parallel_loop3A_178], %broadcast_in_dim3A_5 {add = true} : memref<57360xf32, #tpu.memory_space<vmem>>[vector<16xi32>], vector<16xf32>,
      tpu.vector_store_idx %arg8[%parallel_loop3A_181], %broadcast_in_dim3A_5 {add = true} : memref<57360xf32, #tpu.memory_space<vmem>>[vector<16xi32>], vector<16xf32>,
    } {sc.loop_unroll_factor = 8 : i64, sc.parallel_access}
    %dma_wait3A_53 = tpu.memref_slice %arg2[%multiple_of3A_28] : memref<1048576xi32, #tpu.memory_space<hbm>> -> memref<2048xi32, #tpu.memory_space<hbm>>
    %dma_wait3A_54 = tpu.memref_slice %arg2[%multiple_of3A_28] : memref<1048576xi32, #tpu.memory_space<hbm>> -> memref<2048xi32, #tpu.memory_space<hbm>>
    tpu.wait_dma2 semaphore(%arg13 : memref<!tpu.dma_semaphore, #tpu.memory_space<semaphore_mem>>) src(%dma_wait3A_54 : memref<2048xi32, #tpu.memory_space<hbm>>) dst(%arg7 : memref<2048xi32, #tpu.memory_space<vmem>>)
    %add3A_55 = arith.constant 12288 : i32
    %add3A_56 = arith.addi %mul3A_2, %add3A_55 : i32
    %multiple_of3A_57 = tpu.assume_multiple %add3A_56, 2048 : i32
    %dma_start3A_58 = tpu.memref_slice %arg2[%multiple_of3A_57] : memref<1048576xi32, #tpu.memory_space<hbm>> -> memref<2048xi32, #tpu.memory_space<hbm>>
    %dma_start3A_59 = tpu.memref_slice %arg2[%multiple_of3A_57] : memref<1048576xi32, #tpu.memory_space<hbm>> -> memref<2048xi32, #tpu.memory_space<hbm>>
    tpu.enqueue_dma source(%dma_start3A_59 : memref<2048xi32, #tpu.memory_space<hbm>>) target(%arg6 : memref<2048xi32, #tpu.memory_space<vmem>>) target_semaphore(%arg12 : memref<!tpu.dma_semaphore, #tpu.memory_space<semaphore_mem>>)
    %parallel_loop3A_60 = arith.constant 0 : i32
    %parallel_loop3A_61 = arith.constant 128 : i32
    %parallel_loop3A_62 = arith.constant 1 : i32
    scf.for %parallel_loop3A_171 = %parallel_loop3A_60 to %parallel_loop3A_61 step %parallel_loop3A_62  : i32 {
      %parallel_loop3A_172 = arith.constant 16 : i32
      %parallel_loop3A_173 = arith.muli %parallel_loop3A_171, %parallel_loop3A_172 : i32
      %parallel_loop3A_174 = arith.index_cast %parallel_loop3A_173 : i32 to index
      %parallel_loop3A_175 = tpu.vector_load %arg7[%parallel_loop3A_174] {strides = array<i32>} : memref<2048xi32, #tpu.memory_space<vmem>>, vector<16xi32>,
      %parallel_loop3A_176 = arith.constant 65535 : i32
      %parallel_loop3A_177 = vector.broadcast %parallel_loop3A_176 : i32 to vector<16xi32>
      %parallel_loop3A_178 = arith.andi %parallel_loop3A_175, %parallel_loop3A_177 : vector<16xi32>
      %parallel_loop3A_179 = arith.constant 16 : i32
      %parallel_loop3A_180 = vector.broadcast %parallel_loop3A_179 : i32 to vector<16xi32>
      %parallel_loop3A_181 = arith.shrui %parallel_loop3A_175, %parallel_loop3A_180 : vector<16xi32>
      tpu.vector_store_idx %arg8[%parallel_loop3A_178], %broadcast_in_dim3A_5 {add = true} : memref<57360xf32, #tpu.memory_space<vmem>>[vector<16xi32>], vector<16xf32>,
      tpu.vector_store_idx %arg8[%parallel_loop3A_181], %broadcast_in_dim3A_5 {add = true} : memref<57360xf32, #tpu.memory_space<vmem>>[vector<16xi32>], vector<16xf32>,
    } {sc.loop_unroll_factor = 8 : i64, sc.parallel_access}
    %dma_wait3A_63 = tpu.memref_slice %arg2[%multiple_of3A_37] : memref<1048576xi32, #tpu.memory_space<hbm>> -> memref<2048xi32, #tpu.memory_space<hbm>>
    %dma_wait3A_64 = tpu.memref_slice %arg2[%multiple_of3A_37] : memref<1048576xi32, #tpu.memory_space<hbm>> -> memref<2048xi32, #tpu.memory_space<hbm>>
    tpu.wait_dma2 semaphore(%arg10 : memref<!tpu.dma_semaphore, #tpu.memory_space<semaphore_mem>>) src(%dma_wait3A_64 : memref<2048xi32, #tpu.memory_space<hbm>>) dst(%arg4 : memref<2048xi32, #tpu.memory_space<vmem>>)
    %add3A_65 = arith.constant 14336 : i32
    %add3A_66 = arith.addi %mul3A_2, %add3A_65 : i32
    %multiple_of3A_67 = tpu.assume_multiple %add3A_66, 2048 : i32
    %dma_start3A_68 = tpu.memref_slice %arg2[%multiple_of3A_67] : memref<1048576xi32, #tpu.memory_space<hbm>> -> memref<2048xi32, #tpu.memory_space<hbm>>
    %dma_start3A_69 = tpu.memref_slice %arg2[%multiple_of3A_67] : memref<1048576xi32, #tpu.memory_space<hbm>> -> memref<2048xi32, #tpu.memory_space<hbm>>
    tpu.enqueue_dma source(%dma_start3A_69 : memref<2048xi32, #tpu.memory_space<hbm>>) target(%arg7 : memref<2048xi32, #tpu.memory_space<vmem>>) target_semaphore(%arg13 : memref<!tpu.dma_semaphore, #tpu.memory_space<semaphore_mem>>)
    %parallel_loop3A_70 = arith.constant 0 : i32
    %parallel_loop3A_71 = arith.constant 128 : i32
    %parallel_loop3A_72 = arith.constant 1 : i32
    scf.for %parallel_loop3A_171 = %parallel_loop3A_70 to %parallel_loop3A_71 step %parallel_loop3A_72  : i32 {
      %parallel_loop3A_172 = arith.constant 16 : i32
      %parallel_loop3A_173 = arith.muli %parallel_loop3A_171, %parallel_loop3A_172 : i32
      %parallel_loop3A_174 = arith.index_cast %parallel_loop3A_173 : i32 to index
      %parallel_loop3A_175 = tpu.vector_load %arg4[%parallel_loop3A_174] {strides = array<i32>} : memref<2048xi32, #tpu.memory_space<vmem>>, vector<16xi32>,
      %parallel_loop3A_176 = arith.constant 65535 : i32
      %parallel_loop3A_177 = vector.broadcast %parallel_loop3A_176 : i32 to vector<16xi32>
      %parallel_loop3A_178 = arith.andi %parallel_loop3A_175, %parallel_loop3A_177 : vector<16xi32>
      %parallel_loop3A_179 = arith.constant 16 : i32
      %parallel_loop3A_180 = vector.broadcast %parallel_loop3A_179 : i32 to vector<16xi32>
      %parallel_loop3A_181 = arith.shrui %parallel_loop3A_175, %parallel_loop3A_180 : vector<16xi32>
      tpu.vector_store_idx %arg8[%parallel_loop3A_178], %broadcast_in_dim3A_5 {add = true} : memref<57360xf32, #tpu.memory_space<vmem>>[vector<16xi32>], vector<16xf32>,
      tpu.vector_store_idx %arg8[%parallel_loop3A_181], %broadcast_in_dim3A_5 {add = true} : memref<57360xf32, #tpu.memory_space<vmem>>[vector<16xi32>], vector<16xf32>,
    } {sc.loop_unroll_factor = 8 : i64, sc.parallel_access}
    %dma_wait3A_73 = tpu.memref_slice %arg2[%multiple_of3A_47] : memref<1048576xi32, #tpu.memory_space<hbm>> -> memref<2048xi32, #tpu.memory_space<hbm>>
    %dma_wait3A_74 = tpu.memref_slice %arg2[%multiple_of3A_47] : memref<1048576xi32, #tpu.memory_space<hbm>> -> memref<2048xi32, #tpu.memory_space<hbm>>
    tpu.wait_dma2 semaphore(%arg11 : memref<!tpu.dma_semaphore, #tpu.memory_space<semaphore_mem>>) src(%dma_wait3A_74 : memref<2048xi32, #tpu.memory_space<hbm>>) dst(%arg5 : memref<2048xi32, #tpu.memory_space<vmem>>)
    %add3A_75 = arith.constant 16384 : i32
    %add3A_76 = arith.addi %mul3A_2, %add3A_75 : i32
    %multiple_of3A_77 = tpu.assume_multiple %add3A_76, 2048 : i32
    %dma_start3A_78 = tpu.memref_slice %arg2[%multiple_of3A_77] : memref<1048576xi32, #tpu.memory_space<hbm>> -> memref<2048xi32, #tpu.memory_space<hbm>>
    %dma_start3A_79 = tpu.memref_slice %arg2[%multiple_of3A_77] : memref<1048576xi32, #tpu.memory_space<hbm>> -> memref<2048xi32, #tpu.memory_space<hbm>>
    tpu.enqueue_dma source(%dma_start3A_79 : memref<2048xi32, #tpu.memory_space<hbm>>) target(%arg4 : memref<2048xi32, #tpu.memory_space<vmem>>) target_semaphore(%arg10 : memref<!tpu.dma_semaphore, #tpu.memory_space<semaphore_mem>>)
    %parallel_loop3A_80 = arith.constant 0 : i32
    %parallel_loop3A_81 = arith.constant 128 : i32
    %parallel_loop3A_82 = arith.constant 1 : i32
    scf.for %parallel_loop3A_171 = %parallel_loop3A_80 to %parallel_loop3A_81 step %parallel_loop3A_82  : i32 {
      %parallel_loop3A_172 = arith.constant 16 : i32
      %parallel_loop3A_173 = arith.muli %parallel_loop3A_171, %parallel_loop3A_172 : i32
      %parallel_loop3A_174 = arith.index_cast %parallel_loop3A_173 : i32 to index
      %parallel_loop3A_175 = tpu.vector_load %arg5[%parallel_loop3A_174] {strides = array<i32>} : memref<2048xi32, #tpu.memory_space<vmem>>, vector<16xi32>,
      %parallel_loop3A_176 = arith.constant 65535 : i32
      %parallel_loop3A_177 = vector.broadcast %parallel_loop3A_176 : i32 to vector<16xi32>
      %parallel_loop3A_178 = arith.andi %parallel_loop3A_175, %parallel_loop3A_177 : vector<16xi32>
      %parallel_loop3A_179 = arith.constant 16 : i32
      %parallel_loop3A_180 = vector.broadcast %parallel_loop3A_179 : i32 to vector<16xi32>
      %parallel_loop3A_181 = arith.shrui %parallel_loop3A_175, %parallel_loop3A_180 : vector<16xi32>
      tpu.vector_store_idx %arg8[%parallel_loop3A_178], %broadcast_in_dim3A_5 {add = true} : memref<57360xf32, #tpu.memory_space<vmem>>[vector<16xi32>], vector<16xf32>,
      tpu.vector_store_idx %arg8[%parallel_loop3A_181], %broadcast_in_dim3A_5 {add = true} : memref<57360xf32, #tpu.memory_space<vmem>>[vector<16xi32>], vector<16xf32>,
    } {sc.loop_unroll_factor = 8 : i64, sc.parallel_access}
    %dma_wait3A_83 = tpu.memref_slice %arg2[%multiple_of3A_57] : memref<1048576xi32, #tpu.memory_space<hbm>> -> memref<2048xi32, #tpu.memory_space<hbm>>
    %dma_wait3A_84 = tpu.memref_slice %arg2[%multiple_of3A_57] : memref<1048576xi32, #tpu.memory_space<hbm>> -> memref<2048xi32, #tpu.memory_space<hbm>>
    tpu.wait_dma2 semaphore(%arg12 : memref<!tpu.dma_semaphore, #tpu.memory_space<semaphore_mem>>) src(%dma_wait3A_84 : memref<2048xi32, #tpu.memory_space<hbm>>) dst(%arg6 : memref<2048xi32, #tpu.memory_space<vmem>>)
    %add3A_85 = arith.constant 18432 : i32
    %add3A_86 = arith.addi %mul3A_2, %add3A_85 : i32
    %multiple_of3A_87 = tpu.assume_multiple %add3A_86, 2048 : i32
    %dma_start3A_88 = tpu.memref_slice %arg2[%multiple_of3A_87] : memref<1048576xi32, #tpu.memory_space<hbm>> -> memref<2048xi32, #tpu.memory_space<hbm>>
    %dma_start3A_89 = tpu.memref_slice %arg2[%multiple_of3A_87] : memref<1048576xi32, #tpu.memory_space<hbm>> -> memref<2048xi32, #tpu.memory_space<hbm>>
    tpu.enqueue_dma source(%dma_start3A_89 : memref<2048xi32, #tpu.memory_space<hbm>>) target(%arg5 : memref<2048xi32, #tpu.memory_space<vmem>>) target_semaphore(%arg11 : memref<!tpu.dma_semaphore, #tpu.memory_space<semaphore_mem>>)
    %parallel_loop3A_90 = arith.constant 0 : i32
    %parallel_loop3A_91 = arith.constant 128 : i32
    %parallel_loop3A_92 = arith.constant 1 : i32
    scf.for %parallel_loop3A_171 = %parallel_loop3A_90 to %parallel_loop3A_91 step %parallel_loop3A_92  : i32 {
      %parallel_loop3A_172 = arith.constant 16 : i32
      %parallel_loop3A_173 = arith.muli %parallel_loop3A_171, %parallel_loop3A_172 : i32
      %parallel_loop3A_174 = arith.index_cast %parallel_loop3A_173 : i32 to index
      %parallel_loop3A_175 = tpu.vector_load %arg6[%parallel_loop3A_174] {strides = array<i32>} : memref<2048xi32, #tpu.memory_space<vmem>>, vector<16xi32>,
      %parallel_loop3A_176 = arith.constant 65535 : i32
      %parallel_loop3A_177 = vector.broadcast %parallel_loop3A_176 : i32 to vector<16xi32>
      %parallel_loop3A_178 = arith.andi %parallel_loop3A_175, %parallel_loop3A_177 : vector<16xi32>
      %parallel_loop3A_179 = arith.constant 16 : i32
      %parallel_loop3A_180 = vector.broadcast %parallel_loop3A_179 : i32 to vector<16xi32>
      %parallel_loop3A_181 = arith.shrui %parallel_loop3A_175, %parallel_loop3A_180 : vector<16xi32>
      tpu.vector_store_idx %arg8[%parallel_loop3A_178], %broadcast_in_dim3A_5 {add = true} : memref<57360xf32, #tpu.memory_space<vmem>>[vector<16xi32>], vector<16xf32>,
      tpu.vector_store_idx %arg8[%parallel_loop3A_181], %broadcast_in_dim3A_5 {add = true} : memref<57360xf32, #tpu.memory_space<vmem>>[vector<16xi32>], vector<16xf32>,
    } {sc.loop_unroll_factor = 8 : i64, sc.parallel_access}
    %dma_wait3A_93 = tpu.memref_slice %arg2[%multiple_of3A_67] : memref<1048576xi32, #tpu.memory_space<hbm>> -> memref<2048xi32, #tpu.memory_space<hbm>>
    %dma_wait3A_94 = tpu.memref_slice %arg2[%multiple_of3A_67] : memref<1048576xi32, #tpu.memory_space<hbm>> -> memref<2048xi32, #tpu.memory_space<hbm>>
    tpu.wait_dma2 semaphore(%arg13 : memref<!tpu.dma_semaphore, #tpu.memory_space<semaphore_mem>>) src(%dma_wait3A_94 : memref<2048xi32, #tpu.memory_space<hbm>>) dst(%arg7 : memref<2048xi32, #tpu.memory_space<vmem>>)
    %add3A_95 = arith.constant 20480 : i32
    %add3A_96 = arith.addi %mul3A_2, %add3A_95 : i32
    %multiple_of3A_97 = tpu.assume_multiple %add3A_96, 2048 : i32
    %dma_start3A_98 = tpu.memref_slice %arg2[%multiple_of3A_97] : memref<1048576xi32, #tpu.memory_space<hbm>> -> memref<2048xi32, #tpu.memory_space<hbm>>
    %dma_start3A_99 = tpu.memref_slice %arg2[%multiple_of3A_97] : memref<1048576xi32, #tpu.memory_space<hbm>> -> memref<2048xi32, #tpu.memory_space<hbm>>
    tpu.enqueue_dma source(%dma_start3A_99 : memref<2048xi32, #tpu.memory_space<hbm>>) target(%arg6 : memref<2048xi32, #tpu.memory_space<vmem>>) target_semaphore(%arg12 : memref<!tpu.dma_semaphore, #tpu.memory_space<semaphore_mem>>)
    %parallel_loop3A_100 = arith.constant 0 : i32
    %parallel_loop3A_101 = arith.constant 128 : i32
    %parallel_loop3A_102 = arith.constant 1 : i32
    scf.for %parallel_loop3A_171 = %parallel_loop3A_100 to %parallel_loop3A_101 step %parallel_loop3A_102  : i32 {
      %parallel_loop3A_172 = arith.constant 16 : i32
      %parallel_loop3A_173 = arith.muli %parallel_loop3A_171, %parallel_loop3A_172 : i32
      %parallel_loop3A_174 = arith.index_cast %parallel_loop3A_173 : i32 to index
      %parallel_loop3A_175 = tpu.vector_load %arg7[%parallel_loop3A_174] {strides = array<i32>} : memref<2048xi32, #tpu.memory_space<vmem>>, vector<16xi32>,
      %parallel_loop3A_176 = arith.constant 65535 : i32
      %parallel_loop3A_177 = vector.broadcast %parallel_loop3A_176 : i32 to vector<16xi32>
      %parallel_loop3A_178 = arith.andi %parallel_loop3A_175, %parallel_loop3A_177 : vector<16xi32>
      %parallel_loop3A_179 = arith.constant 16 : i32
      %parallel_loop3A_180 = vector.broadcast %parallel_loop3A_179 : i32 to vector<16xi32>
      %parallel_loop3A_181 = arith.shrui %parallel_loop3A_175, %parallel_loop3A_180 : vector<16xi32>
      tpu.vector_store_idx %arg8[%parallel_loop3A_178], %broadcast_in_dim3A_5 {add = true} : memref<57360xf32, #tpu.memory_space<vmem>>[vector<16xi32>], vector<16xf32>,
      tpu.vector_store_idx %arg8[%parallel_loop3A_181], %broadcast_in_dim3A_5 {add = true} : memref<57360xf32, #tpu.memory_space<vmem>>[vector<16xi32>], vector<16xf32>,
    } {sc.loop_unroll_factor = 8 : i64, sc.parallel_access}
    %dma_wait3A_103 = tpu.memref_slice %arg2[%multiple_of3A_77] : memref<1048576xi32, #tpu.memory_space<hbm>> -> memref<2048xi32, #tpu.memory_space<hbm>>
    %dma_wait3A_104 = tpu.memref_slice %arg2[%multiple_of3A_77] : memref<1048576xi32, #tpu.memory_space<hbm>> -> memref<2048xi32, #tpu.memory_space<hbm>>
    tpu.wait_dma2 semaphore(%arg10 : memref<!tpu.dma_semaphore, #tpu.memory_space<semaphore_mem>>) src(%dma_wait3A_104 : memref<2048xi32, #tpu.memory_space<hbm>>) dst(%arg4 : memref<2048xi32, #tpu.memory_space<vmem>>)
    %add3A_105 = arith.constant 22528 : i32
    %add3A_106 = arith.addi %mul3A_2, %add3A_105 : i32
    %multiple_of3A_107 = tpu.assume_multiple %add3A_106, 2048 : i32
    %dma_start3A_108 = tpu.memref_slice %arg2[%multiple_of3A_107] : memref<1048576xi32, #tpu.memory_space<hbm>> -> memref<2048xi32, #tpu.memory_space<hbm>>
    %dma_start3A_109 = tpu.memref_slice %arg2[%multiple_of3A_107] : memref<1048576xi32, #tpu.memory_space<hbm>> -> memref<2048xi32, #tpu.memory_space<hbm>>
    tpu.enqueue_dma source(%dma_start3A_109 : memref<2048xi32, #tpu.memory_space<hbm>>) target(%arg7 : memref<2048xi32, #tpu.memory_space<vmem>>) target_semaphore(%arg13 : memref<!tpu.dma_semaphore, #tpu.memory_space<semaphore_mem>>)
    %parallel_loop3A_110 = arith.constant 0 : i32
    %parallel_loop3A_111 = arith.constant 128 : i32
    %parallel_loop3A_112 = arith.constant 1 : i32
    scf.for %parallel_loop3A_171 = %parallel_loop3A_110 to %parallel_loop3A_111 step %parallel_loop3A_112  : i32 {
      %parallel_loop3A_172 = arith.constant 16 : i32
      %parallel_loop3A_173 = arith.muli %parallel_loop3A_171, %parallel_loop3A_172 : i32
      %parallel_loop3A_174 = arith.index_cast %parallel_loop3A_173 : i32 to index
      %parallel_loop3A_175 = tpu.vector_load %arg4[%parallel_loop3A_174] {strides = array<i32>} : memref<2048xi32, #tpu.memory_space<vmem>>, vector<16xi32>,
      %parallel_loop3A_176 = arith.constant 65535 : i32
      %parallel_loop3A_177 = vector.broadcast %parallel_loop3A_176 : i32 to vector<16xi32>
      %parallel_loop3A_178 = arith.andi %parallel_loop3A_175, %parallel_loop3A_177 : vector<16xi32>
      %parallel_loop3A_179 = arith.constant 16 : i32
      %parallel_loop3A_180 = vector.broadcast %parallel_loop3A_179 : i32 to vector<16xi32>
      %parallel_loop3A_181 = arith.shrui %parallel_loop3A_175, %parallel_loop3A_180 : vector<16xi32>
      tpu.vector_store_idx %arg8[%parallel_loop3A_178], %broadcast_in_dim3A_5 {add = true} : memref<57360xf32, #tpu.memory_space<vmem>>[vector<16xi32>], vector<16xf32>,
      tpu.vector_store_idx %arg8[%parallel_loop3A_181], %broadcast_in_dim3A_5 {add = true} : memref<57360xf32, #tpu.memory_space<vmem>>[vector<16xi32>], vector<16xf32>,
    } {sc.loop_unroll_factor = 8 : i64, sc.parallel_access}
    %dma_wait3A_113 = tpu.memref_slice %arg2[%multiple_of3A_87] : memref<1048576xi32, #tpu.memory_space<hbm>> -> memref<2048xi32, #tpu.memory_space<hbm>>
    %dma_wait3A_114 = tpu.memref_slice %arg2[%multiple_of3A_87] : memref<1048576xi32, #tpu.memory_space<hbm>> -> memref<2048xi32, #tpu.memory_space<hbm>>
    tpu.wait_dma2 semaphore(%arg11 : memref<!tpu.dma_semaphore, #tpu.memory_space<semaphore_mem>>) src(%dma_wait3A_114 : memref<2048xi32, #tpu.memory_space<hbm>>) dst(%arg5 : memref<2048xi32, #tpu.memory_space<vmem>>)
    %add3A_115 = arith.constant 24576 : i32
    %add3A_116 = arith.addi %mul3A_2, %add3A_115 : i32
    %multiple_of3A_117 = tpu.assume_multiple %add3A_116, 2048 : i32
    %dma_start3A_118 = tpu.memref_slice %arg2[%multiple_of3A_117] : memref<1048576xi32, #tpu.memory_space<hbm>> -> memref<2048xi32, #tpu.memory_space<hbm>>
    %dma_start3A_119 = tpu.memref_slice %arg2[%multiple_of3A_117] : memref<1048576xi32, #tpu.memory_space<hbm>> -> memref<2048xi32, #tpu.memory_space<hbm>>
    tpu.enqueue_dma source(%dma_start3A_119 : memref<2048xi32, #tpu.memory_space<hbm>>) target(%arg4 : memref<2048xi32, #tpu.memory_space<vmem>>) target_semaphore(%arg10 : memref<!tpu.dma_semaphore, #tpu.memory_space<semaphore_mem>>)
    %parallel_loop3A_120 = arith.constant 0 : i32
    %parallel_loop3A_121 = arith.constant 128 : i32
    %parallel_loop3A_122 = arith.constant 1 : i32
    scf.for %parallel_loop3A_171 = %parallel_loop3A_120 to %parallel_loop3A_121 step %parallel_loop3A_122  : i32 {
      %parallel_loop3A_172 = arith.constant 16 : i32
      %parallel_loop3A_173 = arith.muli %parallel_loop3A_171, %parallel_loop3A_172 : i32
      %parallel_loop3A_174 = arith.index_cast %parallel_loop3A_173 : i32 to index
      %parallel_loop3A_175 = tpu.vector_load %arg5[%parallel_loop3A_174] {strides = array<i32>} : memref<2048xi32, #tpu.memory_space<vmem>>, vector<16xi32>,
      %parallel_loop3A_176 = arith.constant 65535 : i32
      %parallel_loop3A_177 = vector.broadcast %parallel_loop3A_176 : i32 to vector<16xi32>
      %parallel_loop3A_178 = arith.andi %parallel_loop3A_175, %parallel_loop3A_177 : vector<16xi32>
      %parallel_loop3A_179 = arith.constant 16 : i32
      %parallel_loop3A_180 = vector.broadcast %parallel_loop3A_179 : i32 to vector<16xi32>
      %parallel_loop3A_181 = arith.shrui %parallel_loop3A_175, %parallel_loop3A_180 : vector<16xi32>
      tpu.vector_store_idx %arg8[%parallel_loop3A_178], %broadcast_in_dim3A_5 {add = true} : memref<57360xf32, #tpu.memory_space<vmem>>[vector<16xi32>], vector<16xf32>,
      tpu.vector_store_idx %arg8[%parallel_loop3A_181], %broadcast_in_dim3A_5 {add = true} : memref<57360xf32, #tpu.memory_space<vmem>>[vector<16xi32>], vector<16xf32>,
    } {sc.loop_unroll_factor = 8 : i64, sc.parallel_access}
    %dma_wait3A_123 = tpu.memref_slice %arg2[%multiple_of3A_97] : memref<1048576xi32, #tpu.memory_space<hbm>> -> memref<2048xi32, #tpu.memory_space<hbm>>
    %dma_wait3A_124 = tpu.memref_slice %arg2[%multiple_of3A_97] : memref<1048576xi32, #tpu.memory_space<hbm>> -> memref<2048xi32, #tpu.memory_space<hbm>>
    tpu.wait_dma2 semaphore(%arg12 : memref<!tpu.dma_semaphore, #tpu.memory_space<semaphore_mem>>) src(%dma_wait3A_124 : memref<2048xi32, #tpu.memory_space<hbm>>) dst(%arg6 : memref<2048xi32, #tpu.memory_space<vmem>>)
    %add3A_125 = arith.constant 26624 : i32
    %add3A_126 = arith.addi %mul3A_2, %add3A_125 : i32
    %multiple_of3A_127 = tpu.assume_multiple %add3A_126, 2048 : i32
    %dma_start3A_128 = tpu.memref_slice %arg2[%multiple_of3A_127] : memref<1048576xi32, #tpu.memory_space<hbm>> -> memref<2048xi32, #tpu.memory_space<hbm>>
    %dma_start3A_129 = tpu.memref_slice %arg2[%multiple_of3A_127] : memref<1048576xi32, #tpu.memory_space<hbm>> -> memref<2048xi32, #tpu.memory_space<hbm>>
    tpu.enqueue_dma source(%dma_start3A_129 : memref<2048xi32, #tpu.memory_space<hbm>>) target(%arg5 : memref<2048xi32, #tpu.memory_space<vmem>>) target_semaphore(%arg11 : memref<!tpu.dma_semaphore, #tpu.memory_space<semaphore_mem>>)
    %parallel_loop3A_130 = arith.constant 0 : i32
    %parallel_loop3A_131 = arith.constant 128 : i32
    %parallel_loop3A_132 = arith.constant 1 : i32
    scf.for %parallel_loop3A_171 = %parallel_loop3A_130 to %parallel_loop3A_131 step %parallel_loop3A_132  : i32 {
      %parallel_loop3A_172 = arith.constant 16 : i32
      %parallel_loop3A_173 = arith.muli %parallel_loop3A_171, %parallel_loop3A_172 : i32
      %parallel_loop3A_174 = arith.index_cast %parallel_loop3A_173 : i32 to index
      %parallel_loop3A_175 = tpu.vector_load %arg6[%parallel_loop3A_174] {strides = array<i32>} : memref<2048xi32, #tpu.memory_space<vmem>>, vector<16xi32>,
      %parallel_loop3A_176 = arith.constant 65535 : i32
      %parallel_loop3A_177 = vector.broadcast %parallel_loop3A_176 : i32 to vector<16xi32>
      %parallel_loop3A_178 = arith.andi %parallel_loop3A_175, %parallel_loop3A_177 : vector<16xi32>
      %parallel_loop3A_179 = arith.constant 16 : i32
      %parallel_loop3A_180 = vector.broadcast %parallel_loop3A_179 : i32 to vector<16xi32>
      %parallel_loop3A_181 = arith.shrui %parallel_loop3A_175, %parallel_loop3A_180 : vector<16xi32>
      tpu.vector_store_idx %arg8[%parallel_loop3A_178], %broadcast_in_dim3A_5 {add = true} : memref<57360xf32, #tpu.memory_space<vmem>>[vector<16xi32>], vector<16xf32>,
      tpu.vector_store_idx %arg8[%parallel_loop3A_181], %broadcast_in_dim3A_5 {add = true} : memref<57360xf32, #tpu.memory_space<vmem>>[vector<16xi32>], vector<16xf32>,
    } {sc.loop_unroll_factor = 8 : i64, sc.parallel_access}
    %dma_wait3A_133 = tpu.memref_slice %arg2[%multiple_of3A_107] : memref<1048576xi32, #tpu.memory_space<hbm>> -> memref<2048xi32, #tpu.memory_space<hbm>>
    %dma_wait3A_134 = tpu.memref_slice %arg2[%multiple_of3A_107] : memref<1048576xi32, #tpu.memory_space<hbm>> -> memref<2048xi32, #tpu.memory_space<hbm>>
    tpu.wait_dma2 semaphore(%arg13 : memref<!tpu.dma_semaphore, #tpu.memory_space<semaphore_mem>>) src(%dma_wait3A_134 : memref<2048xi32, #tpu.memory_space<hbm>>) dst(%arg7 : memref<2048xi32, #tpu.memory_space<vmem>>)
    %add3A_135 = arith.constant 28672 : i32
    %add3A_136 = arith.addi %mul3A_2, %add3A_135 : i32
    %multiple_of3A_137 = tpu.assume_multiple %add3A_136, 2048 : i32
    %dma_start3A_138 = tpu.memref_slice %arg2[%multiple_of3A_137] : memref<1048576xi32, #tpu.memory_space<hbm>> -> memref<2048xi32, #tpu.memory_space<hbm>>
    %dma_start3A_139 = tpu.memref_slice %arg2[%multiple_of3A_137] : memref<1048576xi32, #tpu.memory_space<hbm>> -> memref<2048xi32, #tpu.memory_space<hbm>>
    tpu.enqueue_dma source(%dma_start3A_139 : memref<2048xi32, #tpu.memory_space<hbm>>) target(%arg6 : memref<2048xi32, #tpu.memory_space<vmem>>) target_semaphore(%arg12 : memref<!tpu.dma_semaphore, #tpu.memory_space<semaphore_mem>>)
    %parallel_loop3A_140 = arith.constant 0 : i32
    %parallel_loop3A_141 = arith.constant 128 : i32
    %parallel_loop3A_142 = arith.constant 1 : i32
    scf.for %parallel_loop3A_171 = %parallel_loop3A_140 to %parallel_loop3A_141 step %parallel_loop3A_142  : i32 {
      %parallel_loop3A_172 = arith.constant 16 : i32
      %parallel_loop3A_173 = arith.muli %parallel_loop3A_171, %parallel_loop3A_172 : i32
      %parallel_loop3A_174 = arith.index_cast %parallel_loop3A_173 : i32 to index
      %parallel_loop3A_175 = tpu.vector_load %arg7[%parallel_loop3A_174] {strides = array<i32>} : memref<2048xi32, #tpu.memory_space<vmem>>, vector<16xi32>,
      %parallel_loop3A_176 = arith.constant 65535 : i32
      %parallel_loop3A_177 = vector.broadcast %parallel_loop3A_176 : i32 to vector<16xi32>
      %parallel_loop3A_178 = arith.andi %parallel_loop3A_175, %parallel_loop3A_177 : vector<16xi32>
      %parallel_loop3A_179 = arith.constant 16 : i32
      %parallel_loop3A_180 = vector.broadcast %parallel_loop3A_179 : i32 to vector<16xi32>
      %parallel_loop3A_181 = arith.shrui %parallel_loop3A_175, %parallel_loop3A_180 : vector<16xi32>
      tpu.vector_store_idx %arg8[%parallel_loop3A_178], %broadcast_in_dim3A_5 {add = true} : memref<57360xf32, #tpu.memory_space<vmem>>[vector<16xi32>], vector<16xf32>,
      tpu.vector_store_idx %arg8[%parallel_loop3A_181], %broadcast_in_dim3A_5 {add = true} : memref<57360xf32, #tpu.memory_space<vmem>>[vector<16xi32>], vector<16xf32>,
    } {sc.loop_unroll_factor = 8 : i64, sc.parallel_access}
    %dma_wait3A_143 = tpu.memref_slice %arg2[%multiple_of3A_117] : memref<1048576xi32, #tpu.memory_space<hbm>> -> memref<2048xi32, #tpu.memory_space<hbm>>
    %dma_wait3A_144 = tpu.memref_slice %arg2[%multiple_of3A_117] : memref<1048576xi32, #tpu.memory_space<hbm>> -> memref<2048xi32, #tpu.memory_space<hbm>>
    tpu.wait_dma2 semaphore(%arg10 : memref<!tpu.dma_semaphore, #tpu.memory_space<semaphore_mem>>) src(%dma_wait3A_144 : memref<2048xi32, #tpu.memory_space<hbm>>) dst(%arg4 : memref<2048xi32, #tpu.memory_space<vmem>>)
    %add3A_145 = arith.constant 30720 : i32
    %add3A_146 = arith.addi %mul3A_2, %add3A_145 : i32
    %multiple_of3A_147 = tpu.assume_multiple %add3A_146, 2048 : i32
    %dma_start3A_148 = tpu.memref_slice %arg2[%multiple_of3A_147] : memref<1048576xi32, #tpu.memory_space<hbm>> -> memref<2048xi32, #tpu.memory_space<hbm>>
    %dma_start3A_149 = tpu.memref_slice %arg2[%multiple_of3A_147] : memref<1048576xi32, #tpu.memory_space<hbm>> -> memref<2048xi32, #tpu.memory_space<hbm>>
    tpu.enqueue_dma source(%dma_start3A_149 : memref<2048xi32, #tpu.memory_space<hbm>>) target(%arg7 : memref<2048xi32, #tpu.memory_space<vmem>>) target_semaphore(%arg13 : memref<!tpu.dma_semaphore, #tpu.memory_space<semaphore_mem>>)
    %parallel_loop3A_150 = arith.constant 0 : i32
    %parallel_loop3A_151 = arith.constant 128 : i32
    %parallel_loop3A_152 = arith.constant 1 : i32
    scf.for %parallel_loop3A_171 = %parallel_loop3A_150 to %parallel_loop3A_151 step %parallel_loop3A_152  : i32 {
      %parallel_loop3A_172 = arith.constant 16 : i32
      %parallel_loop3A_173 = arith.muli %parallel_loop3A_171, %parallel_loop3A_172 : i32
      %parallel_loop3A_174 = arith.index_cast %parallel_loop3A_173 : i32 to index
      %parallel_loop3A_175 = tpu.vector_load %arg4[%parallel_loop3A_174] {strides = array<i32>} : memref<2048xi32, #tpu.memory_space<vmem>>, vector<16xi32>,
      %parallel_loop3A_176 = arith.constant 65535 : i32
      %parallel_loop3A_177 = vector.broadcast %parallel_loop3A_176 : i32 to vector<16xi32>
      %parallel_loop3A_178 = arith.andi %parallel_loop3A_175, %parallel_loop3A_177 : vector<16xi32>
      %parallel_loop3A_179 = arith.constant 16 : i32
      %parallel_loop3A_180 = vector.broadcast %parallel_loop3A_179 : i32 to vector<16xi32>
      %parallel_loop3A_181 = arith.shrui %parallel_loop3A_175, %parallel_loop3A_180 : vector<16xi32>
      tpu.vector_store_idx %arg8[%parallel_loop3A_178], %broadcast_in_dim3A_5 {add = true} : memref<57360xf32, #tpu.memory_space<vmem>>[vector<16xi32>], vector<16xf32>,
      tpu.vector_store_idx %arg8[%parallel_loop3A_181], %broadcast_in_dim3A_5 {add = true} : memref<57360xf32, #tpu.memory_space<vmem>>[vector<16xi32>], vector<16xf32>,
    } {sc.loop_unroll_factor = 8 : i64, sc.parallel_access}
    %dma_wait3A_153 = tpu.memref_slice %arg2[%multiple_of3A_127] : memref<1048576xi32, #tpu.memory_space<hbm>> -> memref<2048xi32, #tpu.memory_space<hbm>>
    %dma_wait3A_154 = tpu.memref_slice %arg2[%multiple_of3A_127] : memref<1048576xi32, #tpu.memory_space<hbm>> -> memref<2048xi32, #tpu.memory_space<hbm>>
    tpu.wait_dma2 semaphore(%arg11 : memref<!tpu.dma_semaphore, #tpu.memory_space<semaphore_mem>>) src(%dma_wait3A_154 : memref<2048xi32, #tpu.memory_space<hbm>>) dst(%arg5 : memref<2048xi32, #tpu.memory_space<vmem>>)
    %parallel_loop3A_155 = arith.constant 0 : i32
    %parallel_loop3A_156 = arith.constant 128 : i32
    %parallel_loop3A_157 = arith.constant 1 : i32
    scf.for %parallel_loop3A_171 = %parallel_loop3A_155 to %parallel_loop3A_156 step %parallel_loop3A_157  : i32 {
      %parallel_loop3A_172 = arith.constant 16 : i32
      %parallel_loop3A_173 = arith.muli %parallel_loop3A_171, %parallel_loop3A_172 : i32
      %parallel_loop3A_174 = arith.index_cast %parallel_loop3A_173 : i32 to index
      %parallel_loop3A_175 = tpu.vector_load %arg5[%parallel_loop3A_174] {strides = array<i32>} : memref<2048xi32, #tpu.memory_space<vmem>>, vector<16xi32>,
      %parallel_loop3A_176 = arith.constant 65535 : i32
      %parallel_loop3A_177 = vector.broadcast %parallel_loop3A_176 : i32 to vector<16xi32>
      %parallel_loop3A_178 = arith.andi %parallel_loop3A_175, %parallel_loop3A_177 : vector<16xi32>
      %parallel_loop3A_179 = arith.constant 16 : i32
      %parallel_loop3A_180 = vector.broadcast %parallel_loop3A_179 : i32 to vector<16xi32>
      %parallel_loop3A_181 = arith.shrui %parallel_loop3A_175, %parallel_loop3A_180 : vector<16xi32>
      tpu.vector_store_idx %arg8[%parallel_loop3A_178], %broadcast_in_dim3A_5 {add = true} : memref<57360xf32, #tpu.memory_space<vmem>>[vector<16xi32>], vector<16xf32>,
      tpu.vector_store_idx %arg8[%parallel_loop3A_181], %broadcast_in_dim3A_5 {add = true} : memref<57360xf32, #tpu.memory_space<vmem>>[vector<16xi32>], vector<16xf32>,
    } {sc.loop_unroll_factor = 8 : i64, sc.parallel_access}
    %dma_wait3A_158 = tpu.memref_slice %arg2[%multiple_of3A_137] : memref<1048576xi32, #tpu.memory_space<hbm>> -> memref<2048xi32, #tpu.memory_space<hbm>>
    %dma_wait3A_159 = tpu.memref_slice %arg2[%multiple_of3A_137] : memref<1048576xi32, #tpu.memory_space<hbm>> -> memref<2048xi32, #tpu.memory_space<hbm>>
    tpu.wait_dma2 semaphore(%arg12 : memref<!tpu.dma_semaphore, #tpu.memory_space<semaphore_mem>>) src(%dma_wait3A_159 : memref<2048xi32, #tpu.memory_space<hbm>>) dst(%arg6 : memref<2048xi32, #tpu.memory_space<vmem>>)
    %parallel_loop3A_160 = arith.constant 0 : i32
    %parallel_loop3A_161 = arith.constant 128 : i32
    %parallel_loop3A_162 = arith.constant 1 : i32
    scf.for %parallel_loop3A_171 = %parallel_loop3A_160 to %parallel_loop3A_161 step %parallel_loop3A_162  : i32 {
      %parallel_loop3A_172 = arith.constant 16 : i32
      %parallel_loop3A_173 = arith.muli %parallel_loop3A_171, %parallel_loop3A_172 : i32
      %parallel_loop3A_174 = arith.index_cast %parallel_loop3A_173 : i32 to index
      %parallel_loop3A_175 = tpu.vector_load %arg6[%parallel_loop3A_174] {strides = array<i32>} : memref<2048xi32, #tpu.memory_space<vmem>>, vector<16xi32>,
      %parallel_loop3A_176 = arith.constant 65535 : i32
      %parallel_loop3A_177 = vector.broadcast %parallel_loop3A_176 : i32 to vector<16xi32>
      %parallel_loop3A_178 = arith.andi %parallel_loop3A_175, %parallel_loop3A_177 : vector<16xi32>
      %parallel_loop3A_179 = arith.constant 16 : i32
      %parallel_loop3A_180 = vector.broadcast %parallel_loop3A_179 : i32 to vector<16xi32>
      %parallel_loop3A_181 = arith.shrui %parallel_loop3A_175, %parallel_loop3A_180 : vector<16xi32>
      tpu.vector_store_idx %arg8[%parallel_loop3A_178], %broadcast_in_dim3A_5 {add = true} : memref<57360xf32, #tpu.memory_space<vmem>>[vector<16xi32>], vector<16xf32>,
      tpu.vector_store_idx %arg8[%parallel_loop3A_181], %broadcast_in_dim3A_5 {add = true} : memref<57360xf32, #tpu.memory_space<vmem>>[vector<16xi32>], vector<16xf32>,
    } {sc.loop_unroll_factor = 8 : i64, sc.parallel_access}
    %dma_wait3A_163 = tpu.memref_slice %arg2[%multiple_of3A_147] : memref<1048576xi32, #tpu.memory_space<hbm>> -> memref<2048xi32, #tpu.memory_space<hbm>>
    %dma_wait3A_164 = tpu.memref_slice %arg2[%multiple_of3A_147] : memref<1048576xi32, #tpu.memory_space<hbm>> -> memref<2048xi32, #tpu.memory_space<hbm>>
    tpu.wait_dma2 semaphore(%arg13 : memref<!tpu.dma_semaphore, #tpu.memory_space<semaphore_mem>>) src(%dma_wait3A_164 : memref<2048xi32, #tpu.memory_space<hbm>>) dst(%arg7 : memref<2048xi32, #tpu.memory_space<vmem>>)
    %parallel_loop3A_165 = arith.constant 0 : i32
    %parallel_loop3A_166 = arith.constant 128 : i32
    %parallel_loop3A_167 = arith.constant 1 : i32
    scf.for %parallel_loop3A_171 = %parallel_loop3A_165 to %parallel_loop3A_166 step %parallel_loop3A_167  : i32 {
      %parallel_loop3A_172 = arith.constant 16 : i32
      %parallel_loop3A_173 = arith.muli %parallel_loop3A_171, %parallel_loop3A_172 : i32
      %parallel_loop3A_174 = arith.index_cast %parallel_loop3A_173 : i32 to index
      %parallel_loop3A_175 = tpu.vector_load %arg7[%parallel_loop3A_174] {strides = array<i32>} : memref<2048xi32, #tpu.memory_space<vmem>>, vector<16xi32>,
      %parallel_loop3A_176 = arith.constant 65535 : i32
      %parallel_loop3A_177 = vector.broadcast %parallel_loop3A_176 : i32 to vector<16xi32>
      %parallel_loop3A_178 = arith.andi %parallel_loop3A_175, %parallel_loop3A_177 : vector<16xi32>
      %parallel_loop3A_179 = arith.constant 16 : i32
      %parallel_loop3A_180 = vector.broadcast %parallel_loop3A_179 : i32 to vector<16xi32>
      %parallel_loop3A_181 = arith.shrui %parallel_loop3A_175, %parallel_loop3A_180 : vector<16xi32>
      tpu.vector_store_idx %arg8[%parallel_loop3A_178], %broadcast_in_dim3A_5 {add = true} : memref<57360xf32, #tpu.memory_space<vmem>>[vector<16xi32>], vector<16xf32>,
      tpu.vector_store_idx %arg8[%parallel_loop3A_181], %broadcast_in_dim3A_5 {add = true} : memref<57360xf32, #tpu.memory_space<vmem>>[vector<16xi32>], vector<16xf32>,
    } {sc.loop_unroll_factor = 8 : i64, sc.parallel_access}
    %parallel_loop3A_168 = arith.constant 0 : i32
    %parallel_loop3A_169 = arith.constant 224 : i32
    %parallel_loop3A_170 = arith.constant 1 : i32
    scf.for %parallel_loop3A_171 = %parallel_loop3A_168 to %parallel_loop3A_169 step %parallel_loop3A_170  : i32 {
      %parallel_loop3A_172 = arith.constant 16 : i32
      %parallel_loop3A_173 = arith.muli %parallel_loop3A_171, %parallel_loop3A_172 : i32
      %parallel_loop3A_174 = arith.index_cast %parallel_loop3A_173 : i32 to index
      %parallel_loop3A_175 = tpu.vector_load %arg8[%parallel_loop3A_174] {strides = array<i32>} : memref<57360xf32, #tpu.memory_space<vmem>>, vector<16xf32>,
      %parallel_loop3A_176 = arith.constant 16 : i32
      %parallel_loop3A_177 = arith.muli %parallel_loop3A_171, %parallel_loop3A_176 : i32
      %parallel_loop3A_178 = arith.constant 3585 : i32
      %parallel_loop3A_179 = arith.addi %parallel_loop3A_178, %parallel_loop3A_177 : i32
      %parallel_loop3A_180 = arith.index_cast %parallel_loop3A_179 : i32 to index
      %parallel_loop3A_181 = tpu.vector_load %arg8[%parallel_loop3A_180] {strides = array<i32>} : memref<57360xf32, #tpu.memory_space<vmem>>, vector<16xf32>,
      %parallel_loop3A_182 = arith.addf %parallel_loop3A_175, %parallel_loop3A_181 : vector<16xf32>
      %parallel_loop3A_183 = arith.constant 16 : i32
      %parallel_loop3A_184 = arith.muli %parallel_loop3A_171, %parallel_loop3A_183 : i32
      %parallel_loop3A_185 = arith.constant 7170 : i32
      %parallel_loop3A_186 = arith.addi %parallel_loop3A_185, %parallel_loop3A_184 : i32
      %parallel_loop3A_187 = arith.index_cast %parallel_loop3A_186 : i32 to index
      %parallel_loop3A_188 = tpu.vector_load %arg8[%parallel_loop3A_187] {strides = array<i32>} : memref<57360xf32, #tpu.memory_space<vmem>>, vector<16xf32>,
      %parallel_loop3A_189 = arith.addf %parallel_loop3A_182, %parallel_loop3A_188 : vector<16xf32>
      %parallel_loop3A_190 = arith.constant 16 : i32
      %parallel_loop3A_191 = arith.muli %parallel_loop3A_171, %parallel_loop3A_190 : i32
      %parallel_loop3A_192 = arith.constant 10755 : i32
      %parallel_loop3A_193 = arith.addi %parallel_loop3A_192, %parallel_loop3A_191 : i32
      %parallel_loop3A_194 = arith.index_cast %parallel_loop3A_193 : i32 to index
      %parallel_loop3A_195 = tpu.vector_load %arg8[%parallel_loop3A_194] {strides = array<i32>} : memref<57360xf32, #tpu.memory_space<vmem>>, vector<16xf32>,
      %parallel_loop3A_196 = arith.addf %parallel_loop3A_189, %parallel_loop3A_195 : vector<16xf32>
      %parallel_loop3A_197 = arith.constant 16 : i32
      %parallel_loop3A_198 = arith.muli %parallel_loop3A_171, %parallel_loop3A_197 : i32
      %parallel_loop3A_199 = arith.constant 14340 : i32
      %parallel_loop3A_200 = arith.addi %parallel_loop3A_199, %parallel_loop3A_198 : i32
      %parallel_loop3A_201 = arith.index_cast %parallel_loop3A_200 : i32 to index
      %parallel_loop3A_202 = tpu.vector_load %arg8[%parallel_loop3A_201] {strides = array<i32>} : memref<57360xf32, #tpu.memory_space<vmem>>, vector<16xf32>,
      %parallel_loop3A_203 = arith.addf %parallel_loop3A_196, %parallel_loop3A_202 : vector<16xf32>
      %parallel_loop3A_204 = arith.constant 16 : i32
      %parallel_loop3A_205 = arith.muli %parallel_loop3A_171, %parallel_loop3A_204 : i32
      %parallel_loop3A_206 = arith.constant 17925 : i32
      %parallel_loop3A_207 = arith.addi %parallel_loop3A_206, %parallel_loop3A_205 : i32
      %parallel_loop3A_208 = arith.index_cast %parallel_loop3A_207 : i32 to index
      %parallel_loop3A_209 = tpu.vector_load %arg8[%parallel_loop3A_208] {strides = array<i32>} : memref<57360xf32, #tpu.memory_space<vmem>>, vector<16xf32>,
      %parallel_loop3A_210 = arith.addf %parallel_loop3A_203, %parallel_loop3A_209 : vector<16xf32>
      %parallel_loop3A_211 = arith.constant 16 : i32
      %parallel_loop3A_212 = arith.muli %parallel_loop3A_171, %parallel_loop3A_211 : i32
      %parallel_loop3A_213 = arith.constant 21510 : i32
      %parallel_loop3A_214 = arith.addi %parallel_loop3A_213, %parallel_loop3A_212 : i32
      %parallel_loop3A_215 = arith.index_cast %parallel_loop3A_214 : i32 to index
      %parallel_loop3A_216 = tpu.vector_load %arg8[%parallel_loop3A_215] {strides = array<i32>} : memref<57360xf32, #tpu.memory_space<vmem>>, vector<16xf32>,
      %parallel_loop3A_217 = arith.addf %parallel_loop3A_210, %parallel_loop3A_216 : vector<16xf32>
      %parallel_loop3A_218 = arith.constant 16 : i32
      %parallel_loop3A_219 = arith.muli %parallel_loop3A_171, %parallel_loop3A_218 : i32
      %parallel_loop3A_220 = arith.constant 25095 : i32
      %parallel_loop3A_221 = arith.addi %parallel_loop3A_220, %parallel_loop3A_219 : i32
      %parallel_loop3A_222 = arith.index_cast %parallel_loop3A_221 : i32 to index
      %parallel_loop3A_223 = tpu.vector_load %arg8[%parallel_loop3A_222] {strides = array<i32>} : memref<57360xf32, #tpu.memory_space<vmem>>, vector<16xf32>,
      %parallel_loop3A_224 = arith.addf %parallel_loop3A_217, %parallel_loop3A_223 : vector<16xf32>
      %parallel_loop3A_225 = arith.constant 16 : i32
      %parallel_loop3A_226 = arith.muli %parallel_loop3A_171, %parallel_loop3A_225 : i32
      %parallel_loop3A_227 = arith.constant 28680 : i32
      %parallel_loop3A_228 = arith.addi %parallel_loop3A_227, %parallel_loop3A_226 : i32
      %parallel_loop3A_229 = arith.index_cast %parallel_loop3A_228 : i32 to index
      %parallel_loop3A_230 = tpu.vector_load %arg8[%parallel_loop3A_229] {strides = array<i32>} : memref<57360xf32, #tpu.memory_space<vmem>>, vector<16xf32>,
      %parallel_loop3A_231 = arith.addf %parallel_loop3A_224, %parallel_loop3A_230 : vector<16xf32>
      %parallel_loop3A_232 = arith.constant 16 : i32
      %parallel_loop3A_233 = arith.muli %parallel_loop3A_171, %parallel_loop3A_232 : i32
      %parallel_loop3A_234 = arith.constant 32265 : i32
      %parallel_loop3A_235 = arith.addi %parallel_loop3A_234, %parallel_loop3A_233 : i32
      %parallel_loop3A_236 = arith.index_cast %parallel_loop3A_235 : i32 to index
      %parallel_loop3A_237 = tpu.vector_load %arg8[%parallel_loop3A_236] {strides = array<i32>} : memref<57360xf32, #tpu.memory_space<vmem>>, vector<16xf32>,
      %parallel_loop3A_238 = arith.addf %parallel_loop3A_231, %parallel_loop3A_237 : vector<16xf32>
      %parallel_loop3A_239 = arith.constant 16 : i32
      %parallel_loop3A_240 = arith.muli %parallel_loop3A_171, %parallel_loop3A_239 : i32
      %parallel_loop3A_241 = arith.constant 35850 : i32
      %parallel_loop3A_242 = arith.addi %parallel_loop3A_241, %parallel_loop3A_240 : i32
      %parallel_loop3A_243 = arith.index_cast %parallel_loop3A_242 : i32 to index
      %parallel_loop3A_244 = tpu.vector_load %arg8[%parallel_loop3A_243] {strides = array<i32>} : memref<57360xf32, #tpu.memory_space<vmem>>, vector<16xf32>,
      %parallel_loop3A_245 = arith.addf %parallel_loop3A_238, %parallel_loop3A_244 : vector<16xf32>
      %parallel_loop3A_246 = arith.constant 16 : i32
      %parallel_loop3A_247 = arith.muli %parallel_loop3A_171, %parallel_loop3A_246 : i32
      %parallel_loop3A_248 = arith.constant 39435 : i32
      %parallel_loop3A_249 = arith.addi %parallel_loop3A_248, %parallel_loop3A_247 : i32
      %parallel_loop3A_250 = arith.index_cast %parallel_loop3A_249 : i32 to index
      %parallel_loop3A_251 = tpu.vector_load %arg8[%parallel_loop3A_250] {strides = array<i32>} : memref<57360xf32, #tpu.memory_space<vmem>>, vector<16xf32>,
      %parallel_loop3A_252 = arith.addf %parallel_loop3A_245, %parallel_loop3A_251 : vector<16xf32>
      %parallel_loop3A_253 = arith.constant 16 : i32
      %parallel_loop3A_254 = arith.muli %parallel_loop3A_171, %parallel_loop3A_253 : i32
      %parallel_loop3A_255 = arith.constant 43020 : i32
      %parallel_loop3A_256 = arith.addi %parallel_loop3A_255, %parallel_loop3A_254 : i32
      %parallel_loop3A_257 = arith.index_cast %parallel_loop3A_256 : i32 to index
      %parallel_loop3A_258 = tpu.vector_load %arg8[%parallel_loop3A_257] {strides = array<i32>} : memref<57360xf32, #tpu.memory_space<vmem>>, vector<16xf32>,
      %parallel_loop3A_259 = arith.addf %parallel_loop3A_252, %parallel_loop3A_258 : vector<16xf32>
      %parallel_loop3A_260 = arith.constant 16 : i32
      %parallel_loop3A_261 = arith.muli %parallel_loop3A_171, %parallel_loop3A_260 : i32
      %parallel_loop3A_262 = arith.constant 46605 : i32
      %parallel_loop3A_263 = arith.addi %parallel_loop3A_262, %parallel_loop3A_261 : i32
      %parallel_loop3A_264 = arith.index_cast %parallel_loop3A_263 : i32 to index
      %parallel_loop3A_265 = tpu.vector_load %arg8[%parallel_loop3A_264] {strides = array<i32>} : memref<57360xf32, #tpu.memory_space<vmem>>, vector<16xf32>,
      %parallel_loop3A_266 = arith.addf %parallel_loop3A_259, %parallel_loop3A_265 : vector<16xf32>
      %parallel_loop3A_267 = arith.constant 16 : i32
      %parallel_loop3A_268 = arith.muli %parallel_loop3A_171, %parallel_loop3A_267 : i32
      %parallel_loop3A_269 = arith.constant 50190 : i32
      %parallel_loop3A_270 = arith.addi %parallel_loop3A_269, %parallel_loop3A_268 : i32
      %parallel_loop3A_271 = arith.index_cast %parallel_loop3A_270 : i32 to index
      %parallel_loop3A_272 = tpu.vector_load %arg8[%parallel_loop3A_271] {strides = array<i32>} : memref<57360xf32, #tpu.memory_space<vmem>>, vector<16xf32>,
      %parallel_loop3A_273 = arith.addf %parallel_loop3A_266, %parallel_loop3A_272 : vector<16xf32>
      %parallel_loop3A_274 = arith.constant 16 : i32
      %parallel_loop3A_275 = arith.muli %parallel_loop3A_171, %parallel_loop3A_274 : i32
      %parallel_loop3A_276 = arith.constant 53775 : i32
      %parallel_loop3A_277 = arith.addi %parallel_loop3A_276, %parallel_loop3A_275 : i32
      %parallel_loop3A_278 = arith.index_cast %parallel_loop3A_277 : i32 to index
      %parallel_loop3A_279 = tpu.vector_load %arg8[%parallel_loop3A_278] {strides = array<i32>} : memref<57360xf32, #tpu.memory_space<vmem>>, vector<16xf32>,
      %parallel_loop3A_280 = arith.addf %parallel_loop3A_273, %parallel_loop3A_279 : vector<16xf32>
      %parallel_loop3A_281 = arith.constant 16 : i32
      %parallel_loop3A_282 = arith.muli %parallel_loop3A_171, %parallel_loop3A_281 : i32
      %parallel_loop3A_283 = arith.index_cast %parallel_loop3A_282 : i32 to index
      %parallel_loop3A_284 = tpu.vector_load %arg9[%parallel_loop3A_283] {strides = array<i32>} : memref<3584xf32, #tpu.memory_space<vmem>>, vector<16xf32>,
      tpu.vector_store %arg9[%parallel_loop3A_283], %parallel_loop3A_280 {strides = array<i32>} : memref<3584xf32, #tpu.memory_space<vmem>>, vector<16xf32>,
    } {sc.loop_unroll_factor = 2 : i64, sc.parallel_access}
    "tpu.region"() ({
      %run_scoped3A = tpu.sem_alloc : memref<!tpu.dma_semaphore, #tpu.memory_space<semaphore_mem>>
      %dma_start3A_171 = arith.constant 0 : i32
      %dma_start3A_172 = tpu.memref_slice %arg3[%add3A, %dma_start3A_171] : memref<32x3584xf32, #tpu.memory_space<hbm>> -> memref<1x3584xf32, #tpu.memory_space<hbm>>
      %dma_start3A_173 = tpu.memref_squeeze %dma_start3A_172 : memref<1x3584xf32, #tpu.memory_space<hbm>> -> memref<3584xf32, #tpu.memory_space<hbm>>
      %dma_start3A_174 = arith.constant 0 : i32
      %dma_start3A_175 = tpu.memref_slice %arg3[%add3A, %dma_start3A_174] : memref<32x3584xf32, #tpu.memory_space<hbm>> -> memref<1x3584xf32, #tpu.memory_space<hbm>>
      %dma_start3A_176 = tpu.memref_squeeze %dma_start3A_175 : memref<1x3584xf32, #tpu.memory_space<hbm>> -> memref<3584xf32, #tpu.memory_space<hbm>>
      tpu.enqueue_dma source(%arg9 : memref<3584xf32, #tpu.memory_space<vmem>>) target(%dma_start3A_176 : memref<3584xf32, #tpu.memory_space<hbm>>) target_semaphore(%run_scoped3A : memref<!tpu.dma_semaphore, #tpu.memory_space<semaphore_mem>>)
      %dma_wait3A_177 = arith.constant 0 : i32
      %dma_wait3A_178 = tpu.memref_slice %arg3[%add3A, %dma_wait3A_177] : memref<32x3584xf32, #tpu.memory_space<hbm>> -> memref<1x3584xf32, #tpu.memory_space<hbm>>
      %dma_wait3A_179 = tpu.memref_squeeze %dma_wait3A_178 : memref<1x3584xf32, #tpu.memory_space<hbm>> -> memref<3584xf32, #tpu.memory_space<hbm>>
      %dma_wait3A_180 = arith.constant 0 : i32
      %dma_wait3A_181 = tpu.memref_slice %arg3[%add3A, %dma_wait3A_180] : memref<32x3584xf32, #tpu.memory_space<hbm>> -> memref<1x3584xf32, #tpu.memory_space<hbm>>
      %dma_wait3A_182 = tpu.memref_squeeze %dma_wait3A_181 : memref<1x3584xf32, #tpu.memory_space<hbm>> -> memref<3584xf32, #tpu.memory_space<hbm>>
      tpu.wait_dma2 semaphore(%run_scoped3A : memref<!tpu.dma_semaphore, #tpu.memory_space<semaphore_mem>>) src(%arg9 : memref<3584xf32, #tpu.memory_space<vmem>>) dst(%dma_wait3A_182 : memref<3584xf32, #tpu.memory_space<hbm>>)
      tpu.yield
    }) : () -> ()
    return
  }
}

module attributes {stable_mosaic.version = 14 : i64} {
  func.func @_prep_body(%arg0: i32, %arg1: i32, %arg2: memref<1x2x128x512xf32, #tpu.memory_space<vmem>>, %arg3: memref<1x128x512xi32, #tpu.memory_space<vmem>>, %arg4: memref<1x128x256xi32, #tpu.memory_space<vmem>>) attributes {dimension_semantics = [#tpu.dimension_semantics<arbitrary>, #tpu.dimension_semantics<arbitrary>], iteration_bounds = array<i64: 8, 4>, scalar_prefetch = 0 : i64, scratch_operands = 0 : i64, tpu.core_type = #tpu.core_type<tc>, window_params = [{transform_indices = @transform_0, window_bounds = array<i64: 1, 2, 128, 512>}, {transform_indices = @transform_1, window_bounds = array<i64: 1, 128, 512>}, {transform_indices = @transform_2, window_bounds = array<i64: 1, 128, 256>}]} {
    %get3A = arith.constant 0 : index
    %get3A_0 = arith.constant 0 : index
    %get3A_1 = arith.constant 0 : index
    %get3A_2 = arith.constant 0 : index
    %get3A_3 = vector.load %arg2[%get3A, %get3A_0, %get3A_1, %get3A_2] : memref<1x2x128x512xf32, #tpu.memory_space<vmem>>, vector<1x1x128x512xf32>
    %get3A_4 = vector.shape_cast %get3A_3 : vector<1x1x128x512xf32> to vector<128x512xf32>
    %get3A_5 = arith.constant 0 : index
    %get3A_6 = arith.constant 1 : index
    %get3A_7 = arith.constant 0 : index
    %get3A_8 = arith.constant 0 : index
    %get3A_9 = vector.load %arg2[%get3A_5, %get3A_6, %get3A_7, %get3A_8] : memref<1x2x128x512xf32, #tpu.memory_space<vmem>>, vector<1x1x128x512xf32>
    %get3A_10 = vector.shape_cast %get3A_9 : vector<1x1x128x512xf32> to vector<128x512xf32>
    %get3A_11 = arith.constant 0 : index
    %get3A_12 = arith.constant 0 : index
    %get3A_13 = arith.constant 0 : index
    %get3A_14 = vector.load %arg3[%get3A_11, %get3A_12, %get3A_13] : memref<1x128x512xi32, #tpu.memory_space<vmem>>, vector<1x128x512xi32>
    %get3A_15 = vector.shape_cast %get3A_14 : vector<1x128x512xi32> to vector<128x512xi32>
    %sub3A = arith.subf %get3A_4, %get3A_10 : vector<128x512xf32>
    %exp3A = math.exp %sub3A : vector<128x512xf32>
    %add3A = arith.constant 1.000000e+00 : f32
    %add3A_16 = vector.broadcast %add3A : f32 to vector<128x512xf32>
    %add3A_17 = arith.addf %add3A_16, %exp3A : vector<128x512xf32>
    %div3A = arith.constant 1.000000e+00 : f32
    %div3A_18 = vector.broadcast %div3A : f32 to vector<128x512xf32>
    %div3A_19 = arith.divf %div3A_18, %add3A_17 : vector<128x512xf32>
    %convert_element_type3A = arith.sitofp %get3A_15 : vector<128x512xi32> to vector<128x512xf32>
    %sub3A_20 = arith.subf %convert_element_type3A, %div3A_19 : vector<128x512xf32>
    %abs3A = math.absf %sub3A_20 : vector<128x512xf32>
    %mul3A = arith.constant 1.792000e+03 : f32
    %mul3A_21 = vector.broadcast %mul3A : f32 to vector<128x512xf32>
    %mul3A_22 = arith.mulf %abs3A, %mul3A_21 : vector<128x512xf32>
    %convert_element_type3A_23 = arith.fptosi %mul3A_22 : vector<128x512xf32> to vector<128x512xi32>
    %min3A = arith.constant 1791 : i32
    %min3A_24 = vector.broadcast %min3A : i32 to vector<128x512xi32>
    %min3A_25 = arith.minsi %convert_element_type3A_23, %min3A_24 : vector<128x512xi32>
    %iota3A = tpu.iota {dimensions = array<i32: 1>} : vector<128x512xi32>
    %and3A = arith.constant 15 : i32
    %and3A_26 = vector.broadcast %and3A : i32 to vector<128x512xi32>
    %and3A_27 = arith.andi %iota3A, %and3A_26 : vector<128x512xi32>
    %mul3A_28 = arith.constant 3585 : i32
    %mul3A_29 = vector.broadcast %mul3A_28 : i32 to vector<128x512xi32>
    %mul3A_30 = arith.muli %and3A_27, %mul3A_29 : vector<128x512xi32>
    %mul3A_31 = arith.constant 1792 : i32
    %mul3A_32 = vector.broadcast %mul3A_31 : i32 to vector<128x512xi32>
    %mul3A_33 = arith.muli %get3A_15, %mul3A_32 : vector<128x512xi32>
    %add3A_34 = arith.addi %mul3A_30, %mul3A_33 : vector<128x512xi32>
    %add3A_35 = arith.addi %add3A_34, %min3A_25 : vector<128x512xi32>
    %slice3A = vector.extract_strided_slice %add3A_35 {offsets = [0, 0], sizes = [128, 256], strides = [1, 1]} : vector<128x512xi32> to vector<128x256xi32>
    %slice3A_36 = vector.extract_strided_slice %add3A_35 {offsets = [0, 256], sizes = [128, 256], strides = [1, 1]} : vector<128x512xi32> to vector<128x256xi32>
    %shift_left3A = arith.constant 16 : i32
    %shift_left3A_37 = vector.broadcast %shift_left3A : i32 to vector<128x256xi32>
    %shift_left3A_38 = arith.shli %slice3A_36, %shift_left3A_37 : vector<128x256xi32>
    %or3A = arith.ori %slice3A, %shift_left3A_38 : vector<128x256xi32>
    %swap3A = arith.constant 0 : index
    %swap3A_39 = arith.constant 0 : index
    %swap3A_40 = arith.constant 0 : index
    %swap3A_41 = vector.load %arg4[%swap3A, %swap3A_39, %swap3A_40] : memref<1x128x256xi32, #tpu.memory_space<vmem>>, vector<1x128x256xi32>
    %swap3A_42 = vector.shape_cast %swap3A_41 : vector<1x128x256xi32> to vector<128x256xi32>
    %swap3A_43 = vector.shape_cast %or3A : vector<128x256xi32> to vector<1x128x256xi32>
    tpu.vector_store %arg4[%swap3A, %swap3A_39, %swap3A_40], %swap3A_43 {strides = array<i32>} : memref<1x128x256xi32, #tpu.memory_space<vmem>>, vector<1x128x256xi32>,
    return
  }
  func.func @transform_0(%arg0: i32, %arg1: i32) -> (i32, i32, i32, i32) {
    %c0_i32 = arith.constant 0 : i32
    %c0_i32_0 = arith.constant 0 : i32
    %c0_i32_1 = arith.constant 0 : i32
    return %arg0, %c0_i32, %arg1, %c0_i32_0 : i32, i32, i32, i32
  }
  func.func @transform_1(%arg0: i32, %arg1: i32) -> (i32, i32, i32) {
    %c0_i32 = arith.constant 0 : i32
    %c0_i32_0 = arith.constant 0 : i32
    return %arg0, %arg1, %c0_i32 : i32, i32, i32
  }
  func.func @transform_2(%arg0: i32, %arg1: i32) -> (i32, i32, i32) {
    %c0_i32 = arith.constant 0 : i32
    %c0_i32_0 = arith.constant 0 : i32
    return %arg0, %arg1, %c0_i32 : i32, i32, i32
  }
}

module attributes {stable_mosaic.version = 14 : i64} {
  func.func @_final_body(%arg0: memref<32x3584xf32, #tpu.memory_space<vmem>>, %arg1: memref<1x1xf32, #tpu.memory_space<vmem>>) attributes {dimension_semantics = [], scalar_prefetch = 0 : i64, scratch_operands = 0 : i64, tpu.core_type = #tpu.core_type<tc>} {
    %get3A = arith.constant 0 : index
    %get3A_0 = arith.constant 0 : index
    %get3A_1 = vector.load %arg0[%get3A, %get3A_0] : memref<32x3584xf32, #tpu.memory_space<vmem>>, vector<32x3584xf32>
    %iota3A = tpu.iota {dimensions = array<i32: 1>} : vector<8x32xi32>
    %iota3A_2 = tpu.iota {dimensions = array<i32: 0>} : vector<8x32xi32>
    %jit3A = arith.constant 4 : i32
    %div3A = vector.broadcast %jit3A : i32 to vector<8x32xi32>
    %div3A_3 = arith.divsi %iota3A, %div3A : vector<8x32xi32>
    %sign3A = arith.constant 0 : i32
    %sign3A_4 = vector.broadcast %sign3A : i32 to vector<8x32xi32>
    %sign3A_5 = arith.cmpi sgt, %iota3A, %sign3A_4 : vector<8x32xi32>
    %sign3A_6 = arith.extui %sign3A_5 : vector<8x32xi1> to vector<8x32xi32>
    %sign3A_7 = arith.constant 0 : i32
    %sign3A_8 = vector.broadcast %sign3A_7 : i32 to vector<8x32xi32>
    %sign3A_9 = arith.cmpi slt, %iota3A, %sign3A_8 : vector<8x32xi32>
    %sign3A_10 = arith.extui %sign3A_9 : vector<8x32xi1> to vector<8x32xi32>
    %sign3A_11 = arith.subi %sign3A_6, %sign3A_10 : vector<8x32xi32>
    %sign3A_12 = arith.constant 0 : i32
    %sign3A_13 = arith.cmpi sgt, %jit3A, %sign3A_12 : i32
    %sign3A_14 = arith.extui %sign3A_13 : i1 to i32
    %sign3A_15 = arith.constant 0 : i32
    %sign3A_16 = arith.cmpi slt, %jit3A, %sign3A_15 : i32
    %sign3A_17 = arith.extui %sign3A_16 : i1 to i32
    %sign3A_18 = arith.subi %sign3A_14, %sign3A_17 : i32
    %ne3A = vector.broadcast %sign3A_18 : i32 to vector<8x32xi32>
    %ne3A_19 = arith.cmpi ne, %sign3A_11, %ne3A : vector<8x32xi32>
    %rem3A = vector.broadcast %jit3A : i32 to vector<8x32xi32>
    %rem3A_20 = arith.remsi %iota3A, %rem3A : vector<8x32xi32>
    %ne3A_21 = arith.constant 0 : i32
    %ne3A_22 = vector.broadcast %ne3A_21 : i32 to vector<8x32xi32>
    %ne3A_23 = arith.cmpi ne, %rem3A_20, %ne3A_22 : vector<8x32xi32>
    %and3A = arith.andi %ne3A_19, %ne3A_23 : vector<8x32xi1>
    %sub3A = arith.constant 1 : i32
    %sub3A_24 = vector.broadcast %sub3A : i32 to vector<8x32xi32>
    %sub3A_25 = arith.subi %div3A_3, %sub3A_24 : vector<8x32xi32>
    %select_n3A = arith.select %and3A, %sub3A_25, %div3A_3 : vector<8x32xi1>, vector<8x32xi32>
    %eq3A = arith.cmpi eq, %select_n3A, %iota3A_2 : vector<8x32xi32>
    %convert_element_type3A = arith.extui %eq3A : vector<8x32xi1> to vector<8x32xi32>
    %convert_element_type3A_26 = arith.sitofp %convert_element_type3A : vector<8x32xi32> to vector<8x32xf32>
    %dot_general3A = arith.constant dense<0.000000e+00> : vector<8x3584xf32>
    %dot_general3A_27 = tpu.matmul %convert_element_type3A_26, %get3A_1, %dot_general3A {dimension_numbers = #tpu.dot_dimension_numbers<[1], [0], [0], [1], [0, 0, 1, 1], [], []>, precision = #tpu.contract_precision<fp32>, transpose_lhs_hint = false} : vector<8x32xf32>, vector<32x3584xf32>, vector<8x3584xf32> -> vector<8x3584xf32>
    %slice3A = vector.extract_strided_slice %dot_general3A_27 {offsets = [0, 0], sizes = [8, 1792], strides = [1, 1]} : vector<8x3584xf32> to vector<8x1792xf32>
    %slice3A_28 = vector.extract_strided_slice %dot_general3A_27 {offsets = [0, 1792], sizes = [8, 1792], strides = [1, 1]} : vector<8x3584xf32> to vector<8x1792xf32>
    %reduce_sum3A = arith.constant dense<0.000000e+00> : vector<8xf32>
    %reduce_sum3A_29 = vector.multi_reduction <add>, %slice3A_28, %reduce_sum3A [1] : vector<8x1792xf32> to vector<8xf32>
    %broadcast_in_dim3A = vector.shape_cast %reduce_sum3A_29 : vector<8xf32> to vector<8x1xf32>
    %iota3A_30 = tpu.iota {dimensions = array<i32: 1>} : vector<8x1792xi32>
    %convert_element_type3A_31 = arith.sitofp %iota3A_30 : vector<8x1792xi32> to vector<8x1792xf32>
    %add3A = arith.constant 5.000000e-01 : f32
    %add3A_32 = vector.broadcast %add3A : f32 to vector<8x1792xf32>
    %add3A_33 = arith.addf %convert_element_type3A_31, %add3A_32 : vector<8x1792xf32>
    %div3A_34 = arith.constant 1.792000e+03 : f32
    %div3A_35 = vector.broadcast %div3A_34 : f32 to vector<8x1792xf32>
    %div3A_36 = arith.divf %add3A_33, %div3A_35 : vector<8x1792xf32>
    %mul3A = arith.mulf %slice3A, %div3A_36 : vector<8x1792xf32>
    %mul3A_37 = arith.mulf %slice3A_28, %div3A_36 : vector<8x1792xf32>
    %concatenate3A = tpu.concatenate %slice3A, %slice3A_28 in 0 : vector<8x1792xf32>, vector<8x1792xf32> -> vector<16x1792xf32>
    %iota3A_38 = tpu.iota {dimensions = array<i32: 0>} : vector<1792x1792xi32>
    %iota3A_39 = tpu.iota {dimensions = array<i32: 1>} : vector<1792x1792xi32>
    %gt3A = arith.cmpi sgt, %iota3A_38, %iota3A_39 : vector<1792x1792xi32>
    %convert_element_type3A_40 = arith.extui %gt3A : vector<1792x1792xi1> to vector<1792x1792xi32>
    %convert_element_type3A_41 = arith.sitofp %convert_element_type3A_40 : vector<1792x1792xi32> to vector<1792x1792xf32>
    %dot_general3A_42 = arith.constant dense<0.000000e+00> : vector<16x1792xf32>
    %dot_general3A_43 = tpu.matmul %concatenate3A, %convert_element_type3A_41, %dot_general3A_42 {dimension_numbers = #tpu.dot_dimension_numbers<[1], [0], [0], [1], [0, 0, 1, 1], [], []>, precision = #tpu.contract_precision<fp32>, transpose_lhs_hint = false} : vector<16x1792xf32>, vector<1792x1792xf32>, vector<16x1792xf32> -> vector<16x1792xf32>
    %slice3A_44 = vector.extract_strided_slice %dot_general3A_43 {offsets = [0, 0], sizes = [8, 1792], strides = [1, 1]} : vector<16x1792xf32> to vector<8x1792xf32>
    %slice3A_45 = vector.extract_strided_slice %dot_general3A_43 {offsets = [8, 0], sizes = [8, 1792], strides = [1, 1]} : vector<16x1792xf32> to vector<8x1792xf32>
    %add3A_46 = vector.broadcast %broadcast_in_dim3A : vector<8x1xf32> to vector<8x1792xf32>
    %add3A_47 = arith.addf %add3A_46, %slice3A_44 : vector<8x1792xf32>
    %mul3A_48 = arith.constant 5.000000e-01 : f32
    %mul3A_49 = vector.broadcast %mul3A_48 : f32 to vector<8x1792xf32>
    %mul3A_50 = arith.mulf %mul3A_49, %slice3A : vector<8x1792xf32>
    %add3A_51 = arith.addf %add3A_47, %mul3A_50 : vector<8x1792xf32>
    %max3A = arith.constant 1.000000e+00 : f32
    %max3A_52 = vector.broadcast %max3A : f32 to vector<8x1792xf32>
    %max3A_53 = arith.maximumf %add3A_51, %max3A_52 : vector<8x1792xf32>
    %div3A_54 = arith.divf %mul3A_37, %max3A_53 : vector<8x1792xf32>
    %reduce_sum3A_55 = arith.constant dense<0.000000e+00> : vector<8xf32>
    %reduce_sum3A_56 = vector.multi_reduction <add>, %div3A_54, %reduce_sum3A_55 [1] : vector<8x1792xf32> to vector<8xf32>
    %broadcast_in_dim3A_57 = vector.shape_cast %reduce_sum3A_56 : vector<8xf32> to vector<8x1xf32>
    %add3A_58 = vector.broadcast %broadcast_in_dim3A : vector<8x1xf32> to vector<8x1792xf32>
    %add3A_59 = arith.addf %add3A_58, %slice3A_44 : vector<8x1792xf32>
    %max3A_60 = arith.constant 5.000000e-01 : f32
    %max3A_61 = vector.broadcast %max3A_60 : f32 to vector<8x1792xf32>
    %max3A_62 = arith.maximumf %add3A_59, %max3A_61 : vector<8x1792xf32>
    %add3A_63 = vector.broadcast %broadcast_in_dim3A : vector<8x1xf32> to vector<8x1792xf32>
    %add3A_64 = arith.addf %add3A_63, %slice3A_44 : vector<8x1792xf32>
    %add3A_65 = arith.addf %add3A_64, %slice3A : vector<8x1792xf32>
    %max3A_66 = arith.constant 5.000000e-01 : f32
    %max3A_67 = vector.broadcast %max3A_66 : f32 to vector<8x1792xf32>
    %max3A_68 = arith.maximumf %add3A_65, %max3A_67 : vector<8x1792xf32>
    %sub3A_69 = vector.broadcast %broadcast_in_dim3A : vector<8x1xf32> to vector<8x1792xf32>
    %sub3A_70 = arith.subf %sub3A_69, %slice3A_45 : vector<8x1792xf32>
    %mul3A_71 = arith.constant 5.000000e-01 : f32
    %mul3A_72 = vector.broadcast %mul3A_71 : f32 to vector<8x1792xf32>
    %mul3A_73 = arith.mulf %mul3A_72, %slice3A_28 : vector<8x1792xf32>
    %sub3A_74 = arith.subf %sub3A_70, %mul3A_73 : vector<8x1792xf32>
    %mul3A_75 = arith.mulf %mul3A, %sub3A_74 : vector<8x1792xf32>
    %mul3A_76 = arith.mulf %max3A_62, %max3A_68 : vector<8x1792xf32>
    %div3A_77 = arith.divf %mul3A_75, %mul3A_76 : vector<8x1792xf32>
    %reduce_sum3A_78 = arith.constant dense<0.000000e+00> : vector<8xf32>
    %reduce_sum3A_79 = vector.multi_reduction <add>, %div3A_77, %reduce_sum3A_78 [1] : vector<8x1792xf32> to vector<8xf32>
    %broadcast_in_dim3A_80 = vector.shape_cast %reduce_sum3A_79 : vector<8xf32> to vector<8x1xf32>
    %add3A_81 = arith.addf %broadcast_in_dim3A_57, %broadcast_in_dim3A_80 : vector<8x1xf32>
    %iota3A_82 = tpu.iota {dimensions = array<i32: 1>} : vector<8x1792xi32>
    %gt3A_83 = arith.constant 0.000000e+00 : f32
    %gt3A_84 = vector.broadcast %gt3A_83 : f32 to vector<8x1792xf32>
    %gt3A_85 = arith.cmpf ogt, %slice3A, %gt3A_84 : vector<8x1792xf32>
    %add3A_86 = arith.constant 1 : i32
    %add3A_87 = vector.broadcast %add3A_86 : i32 to vector<8x1792xi32>
    %add3A_88 = arith.addi %iota3A_82, %add3A_87 : vector<8x1792xi32>
    %convert_element_type3A_89 = arith.sitofp %add3A_88 : vector<8x1792xi32> to vector<8x1792xf32>
    %jit3A_90 = arith.constant 0.000000e+00 : f32
    %broadcast_in_dim3A_91 = vector.broadcast %jit3A_90 : f32 to vector<8x1792xf32>
    %select_n3A_92 = arith.select %gt3A_85, %convert_element_type3A_89, %broadcast_in_dim3A_91 : vector<8x1792xi1>, vector<8x1792xf32>
    %reduce_max3A = arith.constant dense<0xFF800000> : vector<8xf32>
    %reduce_max3A_93 = vector.multi_reduction <maximumf>, %select_n3A_92, %reduce_max3A [1] : vector<8x1792xf32> to vector<8xf32>
    %broadcast_in_dim3A_94 = vector.shape_cast %reduce_max3A_93 : vector<8xf32> to vector<8x1xf32>
    %div3A_95 = arith.constant 1.792000e+03 : f32
    %div3A_96 = vector.broadcast %div3A_95 : f32 to vector<8x1xf32>
    %div3A_97 = arith.divf %broadcast_in_dim3A_94, %div3A_96 : vector<8x1xf32>
    %gt3A_98 = arith.constant 5.000000e-01 : f32
    %gt3A_99 = vector.broadcast %gt3A_98 : f32 to vector<8x1xf32>
    %gt3A_100 = arith.cmpf ogt, %broadcast_in_dim3A, %gt3A_99 : vector<8x1xf32>
    %select_n3A_101 = arith.select %gt3A_100, %add3A_81, %div3A_97 : vector<8x1xi1>, vector<8x1xf32>
    %reduce_sum3A_102 = vector.shape_cast %select_n3A_101 : vector<8x1xf32> to vector<1x8x1xf32>
    %reduce_sum3A_103 = arith.constant dense<0.000000e+00> : vector<1xf32>
    %reduce_sum3A_104 = vector.multi_reduction <add>, %reduce_sum3A_102, %reduce_sum3A_103 [1, 2] : vector<1x8x1xf32> to vector<1xf32>
    %reduce_sum3A_105 = vector.shape_cast %reduce_sum3A_104 : vector<1xf32> to vector<1x1x1xf32>
    %reduce_sum3A_106 = vector.extract %reduce_sum3A_105[0, 0, 0] : f32 from vector<1x1x1xf32>
    %broadcast_in_dim3A_107 = vector.broadcast %reduce_sum3A_106 : f32 to vector<1x1xf32>
    %div3A_108 = arith.constant 8.000000e+00 : f32
    %div3A_109 = vector.broadcast %div3A_108 : f32 to vector<1x1xf32>
    %div3A_110 = arith.divf %broadcast_in_dim3A_107, %div3A_109 : vector<1x1xf32>
    %swap3A = arith.constant 0 : index
    %swap3A_111 = arith.constant 0 : index
    %swap3A_112 = vector.load %arg1[%swap3A, %swap3A_111] : memref<1x1xf32, #tpu.memory_space<vmem>>, vector<1x1xf32>
    tpu.vector_store %arg1[%swap3A, %swap3A_111], %div3A_110 {strides = array<i32>} : memref<1x1xf32, #tpu.memory_space<vmem>>, vector<1x1xf32>,
    return
  }
}

</mosaic_0001>

<sc_bundles>
// kernel: kernel.5.cloned.1.call-start
scs
__scs_entry_jumppad:
0x0: {  	(pc) =	sbr.rel $0x88, $3  }
0x1: {  	(tag) =	ssettag $0x0;
	lr =	simm.s32 $0x1  }
0x2: {  	[smem:$0x3F9F] =	sst lr;
	_ =	strace $0xD0000000  }
0x3: {  	_ = 	snop  }
0x4: {  	_ = 	snop  }
0x5: {  	_ = 	snop  }
0x6: {  	_ = 	snop  }
0x7: {  	_ = 	snop  }
__scs_overlays_trampoline_lowered:
0x8: {  	[smem:$0x3FAE] =	sst s0  }
0x9: {  	[smem:$0x3FAF] =	sst s1  }
0xa: {  	[smem:$0x3FB0] =	sst s2  }
0xb: {  	[smem:$0x3FB1] =	sst s3  }
0xc: {  	[smem:$0x3FB2] =	sst s4  }
0xd: {  	[smem:$0x3FB3] =	sst s5  }
0xe: {  	[smem:$0x3FB4] =	sst s6  }
0xf: {  	[smem:$0x3FB5] =	sst s7  }
0x10: {  	[smem:$0x3FB6] =	sst s8  }
0x11: {  	[smem:$0x3FB7] =	sst s9;
	s0 =	simm.s32 @!p0 $0x0  }
0x12: {  	s1 =	sld [smem:$0x3F9D];
	s0 =	simm.s32 @p0 $0x1  }
0x13: {  	[smem:$0x3FB8] =	sst s0;
	s0 =	simm.s32 @!p1 $0x0  }
0x14: {  	s2 =	sld [smem:$0x3F9C];
	s0 =	simm.s32 @p1 $0x1  }
0x15: {  	[smem:$0x3FB9] =	sst s0;
	s0 =	simm.s32 @!p2 $0x0  }
0x16: {  	s3 =	sld [smem:$0x3FDB];
	s0 =	simm.s32 @p2 $0x1  }
0x17: {  	s4 =	simm.s32 $0x1BF5;
	[smem:$0x3FBB] =	sst s0  }
0x18: {  	s0 =	sld [smem:$0x3F9E];
	_ =	swait.ge [sflag:s4], $0x0  }
0x19: {  	s7 =	sld [smem:$0x3F9F]  }
0x1a: {  	s8 =	sadd.s32 $0xFFFFE003, lr  }
0x1b: {  	s9 =	sadd.s32 $0xFFFFFEF7, lr;
	s5 =	simm.s32 $0xFFFFFFFF;
	p2 =	slt.u32 s8, $0xFFFFF086  }
0x1c: {  	p1 =	slt.u32 s9, $0xF7A;
	s5 =	simm.s32 @!p2 $0x0  }
0x1d: {  	s5 =	simm.s32 @p1 $0x1;
	p0 =	seq.s32 s7, s2  }
0x1e: {  	s7 =	smul.u32 @!p0 $0xF7A, s2;
	p2 =	seq.s32 @!p0 s5, $0x0  }
0x1f: {  	s9 =	smul.u32 $0xF7A, s1;
	s8 =	simm.s32 @!p0 $0x1BF5;
	p2 =	por !p2, p0  }
0x20: {  	[sflag:s8] =	ssyncset.s32 @!p0 $0xFFFFF086;
	s6 =	sadd.s32 @!p0 s3, s7;
	s7 =	simm.s32 @!p0 $0x108  }
0x21: {  	s3 =	sadd.s32 s3, s9;
	s6 =	sadd.s32 @!p0 $0x88, s6;
	s7 =	simm.s32 @p2 $0x1082  }
0x22: {  	[simem:s7], [sflag:s8] =	dma.local @!p0 [hbm:s6], $0xF7A  }
0x23: {  	s9 =	sor.u32 $0xD0000000, s2;
	s6 =	simm.s32 $0x108;
	_ =	swait.ge @!p0 [sflag:s8], $0x0  }
0x24: {  	s3 =	sadd.s32 $0x88, s3;
	s6 =	simm.s32 @!p1 $0x1082;
	[sflag:s4] =	ssyncset.s32 $0xFFFFF086  }
0x25: {  	[simem:s6], [sflag:s4] =	dma.local [hbm:s3], $0xF7A  }
0x26: {  	[smem:$0x3F9F] =	sst s1;
	(tag) =	ssettag s2;
	_ =	strace s9  }
0x27: {  	s1 =	sld [smem:$0x3FAF]  }
0x28: {  	s2 =	sld [smem:$0x3FB0]  }
0x29: {  	s4 =	sld [smem:$0x3FB2]  }
0x2a: {  	p0 =	seq.s32 s5, $0x0;
	s5 =	sld [smem:$0x3FB3]  }
0x2b: {  	s6 =	sld [smem:$0x3FB4]  }
0x2c: {  	s7 =	sld [smem:$0x3FB5]  }
0x2d: {  	s3 =	simm.s32 $0x108;
	s8 =	sld [smem:$0x3FB6]  }
0x2e: {  	s3 =	simm.s32 @!p0 $0x1082;
	s9 =	sld [smem:$0x3FB7]  }
0x2f: {  	lr =	sadd.s32 s0, s3;
	s0 =	sld [smem:$0x3FAE]  }
0x30: {  	s3 =	sld [smem:$0x3FB1]  }
0x31: {  	[smem:$0x3FBA] =	sst s10  }
0x32: {  	s10 =	sld [smem:$0x3FB8];
	_ =	sdelay $0x3  }
0x33: {  	p0 =	seq.s32 s10, $0x1;
	s10 =	sld [smem:$0x3FBA];
	_ =	sdelay $0x3  }
0x34: {  	[smem:$0x3FBA] =	sst s10  }
0x35: {  	s10 =	sld [smem:$0x3FB9];
	_ =	sdelay $0x3  }
0x36: {  	p1 =	seq.s32 s10, $0x1;
	s10 =	sld [smem:$0x3FBA];
	_ =	sdelay $0x3  }
0x37: {  	[smem:$0x3FBA] =	sst s10  }
0x38: {  	s10 =	sld [smem:$0x3FBB]  }
0x39: {  	_ = 	snop;
	(pc) =	sbr.ind lr, $3  }
0x3a: {  	_ = 	snop  }
0x3b: {  	_ = 	snop  }
0x3c: {  	p2 =	seq.s32 s10, $0x1;
	s10 =	sld [smem:$0x3FBA]  }
0x3d: {  	_ =	shalt  }
0x3e: {  	_ =	shalt  }
0x3f: {  	_ =	shalt  }
0x40: {  	_ =	shalt  }
0x41: {  	_ =	shalt  }
0x42: {  	_ =	shalt  }
0x43: {  	_ =	shalt  }
0x44: {  	_ =	shalt  }
0x45: {  	_ =	shalt  }
0x46: {  	_ =	shalt  }
0x47: {  	_ =	shalt  }
0x48: {  	_ =	shalt  }
0x49: {  	_ =	shalt  }
0x4a: {  	_ =	shalt  }
0x4b: {  	_ =	shalt  }
0x4c: {  	_ =	shalt  }
0x4d: {  	_ =	shalt  }
0x4e: {  	_ =	shalt  }
0x4f: {  	_ =	shalt  }
0x50: {  	_ =	shalt  }
0x51: {  	_ =	shalt  }
0x52: {  	_ =	shalt  }
0x53: {  	_ =	shalt  }
0x54: {  	_ =	shalt  }
0x55: {  	_ =	shalt  }
0x56: {  	_ =	shalt  }
0x57: {  	_ =	shalt  }
0x58: {  	_ =	shalt  }
0x59: {  	_ =	shalt  }
0x5a: {  	_ =	shalt  }
0x5b: {  	_ =	shalt  }
0x5c: {  	_ =	shalt  }
0x5d: {  	_ =	shalt  }
0x5e: {  	_ =	shalt  }
0x5f: {  	_ =	shalt  }
0x60: {  	_ =	shalt  }
0x61: {  	_ =	shalt  }
0x62: {  	_ =	shalt  }
0x63: {  	_ =	shalt  }
0x64: {  	_ =	shalt  }
0x65: {  	_ =	shalt  }
0x66: {  	_ =	shalt  }
0x67: {  	_ =	shalt  }
0x68: {  	_ =	shalt  }
0x69: {  	_ =	shalt  }
0x6a: {  	_ =	shalt  }
0x6b: {  	_ =	shalt  }
0x6c: {  	_ =	shalt  }
0x6d: {  	_ =	shalt  }
0x6e: {  	_ =	shalt  }
0x6f: {  	_ =	shalt  }
0x70: {  	_ =	shalt  }
0x71: {  	_ =	shalt  }
0x72: {  	_ =	shalt  }
0x73: {  	_ =	shalt  }
0x74: {  	_ =	shalt  }
0x75: {  	_ =	shalt  }
0x76: {  	_ =	shalt  }
0x77: {  	_ =	shalt  }
0x78: {  	_ =	shalt  }
0x79: {  	_ =	shalt  }
0x7a: {  	_ =	shalt  }
0x7b: {  	_ =	shalt  }
0x7c: {  	_ =	shalt  }
0x7d: {  	_ =	shalt  }
0x7e: {  	_ =	shalt  }
0x7f: {  	_ =	shalt  }
0x80: {  	_ =	shalt  }
0x81: {  	_ =	shalt  }
0x82: {  	_ =	shalt  }
0x83: {  	_ =	shalt  }
0x84: {  	_ =	shalt  }
0x85: {  	_ =	shalt  }
0x86: {  	_ =	shalt  }
0x87: {  	_ =	shalt  }
.Lfunc_end0:
.L_simem_size_0:
called_computation_lowered:
.L_overlay_start_0:
0x88: {  	s2 =	sld [smem:$0x3FD9]  }
0x89: {  	s3 =	sld [smem:$0x3FFE];
	_ =	sdelay $0x1  }
0x8a: {  	s1 =	srdreg.scid  }
0x8b: {  	s0 =	sand.u32 $0x1, s1  }
0x8c: {  	s16 =	sshll.u32 s0, $0xA;
	s2 =	sadd.s32 s3, s2  }
0x8d: {  	s2 =	sadd.s32 s2, s16  }
0x8e: {  	[smem:$0x3FC6] =	sst s2  }
0x8f: {  	_ = 	snop  }
0x90: {  	(tm) =	ssettm $0x1  }
0x91: {  	s17 =	sld [smem:$0x3FFB];
	_ =	sdelay $0x3  }
0x92: {  	_ =	strace s17  }
0x93: {  	s2 =	sld [smem:$0x3FFC];
	_ =	sdelay $0x3  }
0x94: {  	_ =	strace s2  }
0x95: {  	s2 =	sld [smem:$0x3FFD];
	_ =	sdelay $0x3  }
0x96: {  	_ =	strace s2  }
0x97: {  	_ =	strace $0x8FFFFFFF  }
0x98: {  	s18 =	sld [smem:$0x3FDB];
	_ =	sdelay $0x1  }
0x99: {  	s19 =	simm.s32 $_scs_section_size  }
0x9a: {  	s4 =	simm.s32 $_size__tile_overlayer_lowered;
	s5 =	simm.s32 $_tile_overlayer_lowered  }
0x9b: {  	s22 =	simm.s32 $0x1BFF;
	s21 =	sshll.u32 s5, $0x1;
	s2 =	sadd.s32 s19, s18  }
0x9c: {  	s6 =	simm.s32 $0x0;
	s20 =	sshll.u32 s4, $0x1;
	s4 =	sadd.s32 s21, s2  }
0x9d: {  	[timem:s6], [sflag:s22] =	dma.local [hbm:s4], s20  }
0x9e: {  	_ =	swait.ge [sflag:s22], s20  }
0x9f: {  	s3 =	ssub.s32 $0x0, s20;
	[sflag:s22] =	ssyncset.done $0x0  }
0xa0: {  	[sflag:s22] =	ssyncadd.s32 s3;
	_ =	sdelay $0x1  }
0xa1: {  	s23 =	simm.s32 $0x1B8B  }
0xa2: {  	_ =	swait.ge [sflag:s23], $0x1  }
0xa3: {  	[sflag:s23] =	ssyncset.done $0x0  }
0xa4: {  	s25 =	simm.s32 $0x1B8E;
	s24 =	sld [smem:$0x3FFE];
	[sflag:s23] =	ssyncadd.s32 $0xFFFFFFFF  }
0xa5: {  	s26 =	simm.s32 $execute0_lowered;
	[smem:$0x3FD2] =	sst s25  }
0xa6: {  	s4 =	sshll.u32 s26, $0x1;
	_ =	strace $0x80000046;
	[dreg:$0x1] =	wrdreg $0xFFFFFFFF  }
0xa7: {  	s28 =	simm.s32 $_size_execute0_lowered;
	s2 =	sadd.s32 s2, s4;
	[dreg:$0x0] =	wrdreg $0x0  }
0xa8: {  	s4 =	sshll.u32 s28, $0x1;
	[dreg:$0x2] =	wrdreg s2  }
0xa9: {  	[dreg:$0x3] =	wrdreg s4  }
0xaa: {  	[dreg:$0x4] =	wrdreg $0xC0  }
0xab: {  	_ =	task [dreg:s6], $0x5FFFF  }
0xac: {  	[dreg:$0x1] =	wrdreg $0xFFFFFFFF  }
0xad: {  	[dreg:$0x0] =	wrdreg $0x60  }
0xae: {  	[dreg:$0x2] =	wrdreg s24  }
0xaf: {  	[dreg:$0x3] =	wrdreg $0x9  }
0xb0: {  	_ =	task.clear_ibuf [dreg:s6], $0x4FFFF;
	_ =	strace $0x90000046  }
0xb1: {  	s29 =	simm.s32 $0x9;
	_ =	strace $0x80000048  }
0xb2: {  	_ =	swait.ge [sflag:s29], $0x1  }
0xb3: {  	[sflag:s29] =	ssyncadd.s32 $0xFFFFFFFF  }
0xb4: {  	_ =	strace $0x90000048  }
0xb5: {  	_ =	sfence  }
0xb6: {  	s30 =	sld [smem:$0x0];
	_ =	sdelay $0x2  }
0xb7: {  	s31 =	sshll.u32 s1, $0xD;
	s1 =	sshrl.u32 s1, $0x2  }
0xb8: {  	s3 =	sand.u32 $0x4000, s31;
	s1 =	sadd.s32 s1, s30  }
0xb9: {  	s0 =	sor.u32 s3, s0;
	s1 =	sshll.u32 s1, $0x11  }
0xba: {  	s0 =	sor.u32 s1, s0  }
0xbb: {  	s0 =	sadd.s32 $0x8F2B, s0  }
0xbc: {  	[sflag:s0] =	ssyncadd.remote.s32 $0x1  }
0xbd: {  	_ =	sfence.sel $0xFFFF  }
0xbe: {  	[dreg:$0x0] =	wrdreg $0xFFFFFFFF;
	(pc) =	sbr.abs _section_cstart, $3  }
0xbf: {  	[dreg:$0x1] =	wrdreg $0xFFFFFFFF  }
0xc0: {  	_ =	task.clear_ibuf [dreg:s6], $0x2FFFF;
	_ =	strace $0x9FFFFFFF  }
0xc1: {  	(tm) =	ssettm $0x7FFFFFFF  }
tec
execute0_lowered:
.L_overlay_start_1:
0x0: {  	(tag) =	ssettag $0x1  }
0x1: {  	s0 =	rddreg [dreg:$0x0]  }
0x2: {  	s1 =	srdreg.scid;
	s4 =	stileid.u32  }
0x3: {  	s2 =	simm.s32 $0x0;
	s21 =	simm.s32 $0x800;
	s22 =	simm.s32 $0x1000  }
0x4: {  	s23 =	simm.s32 $0x1;
	s24 =	simm.s32 $0x1800;
	s28 =	simm.s32 $0x3  }
0x5: {  	s29 =	simm.s32 $0x4;
	s30 =	simm.s32 $0x0;
	s1 =	sand.u32 $0x1, s1  }
0x6: {  	s3 =	sshll.u32 s4, $0x1;
	s4 =	sshrl.u32 s4, $0x2;
	[smem:$0x7FF] =	sst s2  }
0x7: {  	s3 =	sor.u32 s1, s3;
	s4 =	smul.u32 $0x7000, s4;
	_ =	strace $0x80000047  }
0x8: {  	s1 =	ssub.s32 $0x2, s1;
	s5 =	sshll.u32 s3, $0x7;
	s3 =	sshll.u32 s3, $0xC  }
0x9: {  	s25 =	sshrl.u32 s1, $0x1;
	s5 =	sand.u32 $0x380, s5;
	s3 =	sadd.s32 s3, s0  }
0xa: {  	s1 =	ssub.s32 s1, s25;
	s25 =	simm.s32 $0x2000;
	s4 =	sor.u32 s4, s5  }
0xb: {  	s26 =	sadd.s32 $0x800, s3;
	s31 =	sadd.s32 $0x900, s3;
	s5 =	sadd.s32 $0xA00, s3  }
0xc: {  	s6 =	sadd.s32 $0xB00, s3;
	s7 =	sadd.s32 $0xC00, s3;
	s8 =	sadd.s32 $0xD00, s3  }
0xd: {  	s9 =	sadd.s32 $0xE00, s3;
	s10 =	sadd.s32 $0xF00, s3;
	s11 =	sadd.s32 $0x1000, s3  }
0xe: {  	s12 =	sadd.s32 $0x1100, s3;
	s13 =	sadd.s32 $0x1200, s3;
	s14 =	sadd.s32 $0x1300, s3  }
0xf: {  	s15 =	sadd.s32 $0x1400, s3;
	s16 =	sadd.s32 $0x1500, s3;
	s17 =	sadd.s32 $0x1600, s3  }
0x10: {  	s18 =	sadd.s32 $0x1700, s3;
	s20 =	smax.u32 s1, $0x1;
	s4 =	sshrl.u32 s4, $0x3  }
0x11: {  	s1 =	simm.s32 $0x5;
	[dreg:$0x2] =	wrdreg s26;
	s0 =	sadd.s32 s4, s0  }
0x12: {  	v0 =	vimm.f32 $0.0e+00;
	v1 =	vimm.f32 $1.000000000e+00;
	[dreg:$0x3] =	wrdreg s31;
	s26 =	simm.s32 $0x2;
	s19 =	sadd.s32 $0x20800, s0  }
.LBB2_1:
0x13: {  	s0 =	rddreg [dreg:$0x2]  }
0x14: {  	[tilespmem:s2], [sflag:$0x1] =	stream.linear.gather [hbm4b:s0+s2], $0x800, $0x38;
	[tilespmem:$0x10E80] =	vst v63  }
0x15: {  	s31 =	rddreg [dreg:$0x3]  }
0x16: {  	[tilespmem:s21], [sflag:$0x2] =	stream.linear.gather [hbm4b:s31+s2], $0x800, $0x38;
	[tilespmem:$0x10E80] =	vst v63  }
0x17: {  	s3 =	simm.s32 $0x0;
	s0 =	simm.s32 $0x40  }
0x18: {  	[tilespmem:s22], [sflag:$0x3] =	stream.linear.gather [hbm4b:s5+s2], $0x800, $0x38;
	[tilespmem:$0x10E80] =	vst v63  }
.LBB2_2:
0x19: {  	p0 =	sne.s32 s0, $0x38000;
	[tilespmem:s3+$0x2000] =	vst v0;
	s3 =	smov.u32 s0;
	s0 =	sadd.s32 $0x40, s0  }
.Ltmp0:
0x1a: {  	(pc) =	sbr.rel @p0 .LBB2_2-.Ltmp0, $2  }
0x1b: {  	_ =	sdelay $0x2  }
0x1c: {  	s3 =	sshra.s32 s3, $0x2  }
0x1d: {  	[tilespmem:s3+$0x2000] =	vst v0  }
0x1e: {  	_ =	swait.ge [sflag:s23], $0x800  }
0x1f: {  	[sflag:s23] =	ssyncset.done $0x0  }
0x20: {  	s0 =	simm.s32 $0x40;
	[sflag:s23] =	ssyncadd.s32 $0xFFFFF800  }
0x21: {  	[tilespmem:s24], [sflag:$0x4] =	stream.linear.gather [hbm4b:s6+s2], $0x800, $0x38;
	[tilespmem:$0x10E80] =	vst v63  }
0x22: {  	v2 =	vld [tilespmem:s0+$0x30]  }
0x23: {  	v3 =	vld [tilespmem:s0+$0xFFFFFFD0]  }
0x24: {  	v4 =	vld [tilespmem:s0+$0xFFFFFFE0]  }
0x25: {  	v5 =	vld [tilespmem:s0+$0xFFFFFFF0];
	_ =	sdelay $0x1  }
0x26: {  	v6 =	vand.u32 $0xFFFF, v2  }
0x27: {  	v10 =	vld [tilespmem:s0+$0x10];
	v8 =	vand.u32 $0xFFFF, v3  }
0x28: {  	v7 =	vld [tilespmem:s0+$0x0];
	v12 =	vand.u32 $0xFFFF, v4  }
0x29: {  	v9 =	vld [tilespmem:s0+$0xFFFFFFC0];
	v60 =	vand.u32 $0xFFFF, v5  }
0x2a: {  	v11 =	vld [tilespmem:s0+$0x20];
	v2 =	vshrl.u32 v2, $0x10  }
0x2b: {  	v3 =	vshrl.u32 v3, $0x10;
	[tilespmem:v6+s25+$0x0] =	vst.idx.add.f32.msk $0xffff, v1  }
0x2c: {  	v62 =	vand.u32 $0xFFFF, v10;
	[tilespmem:v8+s25+$0x0] =	vst.idx.add.f32.msk $0xffff, v1  }
0x2d: {  	v4 =	vshrl.u32 v4, $0x10;
	[tilespmem:v12+s25+$0x0] =	vst.idx.add.f32.msk $0xffff, v1  }
0x2e: {  	v63 =	vshrl.u32 v10, $0x10;
	[tilespmem:v60+s25+$0x0] =	vst.idx.add.f32.msk $0xffff, v1  }
0x2f: {  	[tilespmem:v2+s25+$0x0] =	vst.idx.add.f32.msk $0xffff, v1;
	v2 =	vand.u32 $0xFFFF, v9  }
0x30: {  	[tilespmem:v3+s25+$0x0] =	vst.idx.add.f32.msk $0xffff, v1;
	v3 =	vshrl.u32 v5, $0x10  }
0x31: {  	[tilespmem:v62+s25+$0x0] =	vst.idx.add.f32.msk $0xffff, v1;
	v5 =	vand.u32 $0xFFFF, v7  }
0x32: {  	v61 =	vshrl.u32 v9, $0x10;
	[tilespmem:v4+s25+$0x0] =	vst.idx.add.f32.msk $0xffff, v1  }
0x33: {  	v4 =	vshrl.u32 v7, $0x10;
	[tilespmem:v63+s25+$0x0] =	vst.idx.add.f32.msk $0xffff, v1  }
0x34: {  	[tilespmem:v2+s25+$0x0] =	vst.idx.add.f32.msk $0xffff, v1  }
0x35: {  	[tilespmem:v3+s25+$0x0] =	vst.idx.add.f32.msk $0xffff, v1  }
0x36: {  	[tilespmem:v5+s25+$0x0] =	vst.idx.add.f32.msk $0xffff, v1  }
0x37: {  	[tilespmem:v61+s25+$0x0] =	vst.idx.add.f32.msk $0xffff, v1  }
0x38: {  	s3 =	simm.s32 $0xC0;
	s0 =	simm.s32 $0x0;
	v2 =	vshrl.u32 v11, $0x10;
	v3 =	vand.u32 $0xFFFF, v11;
	[tilespmem:v4+s25+$0x0] =	vst.idx.add.f32.msk $0xffff, v1  }
.LBB2_4:
0x39: {  	v4 =	vld [tilespmem:s3+$0x30]  }
0x3a: {  	s0 =	sadd.s32 $0x8, s0;
	v5 =	vld [tilespmem:s3+$0xFFFFFFD0]  }
0x3b: {  	p0 =	slt.u32 s0, $0x78;
	v6 =	vld [tilespmem:s3+$0xFFFFFFE0]  }
0x3c: {  	v7 =	vld [tilespmem:s3+$0xFFFFFFF0]  }
0x3d: {  	v8 =	vld [tilespmem:s3+$0x0]  }
0x3e: {  	v9 =	vld [tilespmem:s3+$0x10];
	v10 =	vand.u32 $0xFFFF, v4  }
0x3f: {  	v4 =	vshrl.u32 v4, $0x10;
	v11 =	vshrl.u32 v5, $0x10;
	v5 =	vand.u32 $0xFFFF, v5;
	v12 =	vld [tilespmem:s3+$0x20]  }
0x40: {  	v13 =	vld [tilespmem:s3+$0xFFFFFFC0];
	v14 =	vshrl.u32 v6, $0x10;
	v6 =	vand.u32 $0xFFFF, v6  }
0x41: {  	v15 =	vshrl.u32 v7, $0x10;
	v7 =	vand.u32 $0xFFFF, v7;
	[tilespmem:v3+s25+$0x0] =	vst.idx.add.f32.msk $0xffff, v1  }
0x42: {  	v16 =	vshrl.u32 v8, $0x10;
	v8 =	vand.u32 $0xFFFF, v8;
	[tilespmem:v2+s25+$0x0] =	vst.idx.add.f32.msk $0xffff, v1  }
0x43: {  	v17 =	vshrl.u32 v9, $0x10;
	v9 =	vand.u32 $0xFFFF, v9;
	[tilespmem:v10+s25+$0x0] =	vst.idx.add.f32.msk $0xffff, v1  }
0x44: {  	v2 =	vshrl.u32 v12, $0x10;
	v3 =	vand.u32 $0xFFFF, v12;
	[tilespmem:v4+s25+$0x0] =	vst.idx.add.f32.msk $0xffff, v1  }
0x45: {  	v4 =	vshrl.u32 v13, $0x10;
	v10 =	vand.u32 $0xFFFF, v13;
	[tilespmem:v5+s25+$0x0] =	vst.idx.add.f32.msk $0xffff, v1  }
0x46: {  	[tilespmem:v11+s25+$0x0] =	vst.idx.add.f32.msk $0xffff, v1  }
0x47: {  	[tilespmem:v6+s25+$0x0] =	vst.idx.add.f32.msk $0xffff, v1  }
0x48: {  	[tilespmem:v14+s25+$0x0] =	vst.idx.add.f32.msk $0xffff, v1  }
0x49: {  	[tilespmem:v7+s25+$0x0] =	vst.idx.add.f32.msk $0xffff, v1  }
0x4a: {  	[tilespmem:v10+s25+$0x0] =	vst.idx.add.f32.msk $0xffff, v1  }
0x4b: {  	[tilespmem:v4+s25+$0x0] =	vst.idx.add.f32.msk $0xffff, v1  }
.Ltmp1:
0x4c: {  	[tilespmem:v15+s25+$0x0] =	vst.idx.add.f32.msk $0xffff, v1;
	(pc) =	sbr.rel @p0 .LBB2_4-.Ltmp1, $4  }
0x4d: {  	[tilespmem:v8+s25+$0x0] =	vst.idx.add.f32.msk $0xffff, v1  }
0x4e: {  	[tilespmem:v16+s25+$0x0] =	vst.idx.add.f32.msk $0xffff, v1  }
0x4f: {  	[tilespmem:v9+s25+$0x0] =	vst.idx.add.f32.msk $0xffff, v1  }
0x50: {  	s3 =	sadd.s32 $0x80, s3;
	[tilespmem:v17+s25+$0x0] =	vst.idx.add.f32.msk $0xffff, v1  }
0x51: {  	_ =	sdelay $0x3  }
0x52: {  	[tilespmem:v3+s25+$0x0] =	vst.idx.add.f32.msk $0xffff, v1  }
0x53: {  	[tilespmem:v2+s25+$0x0] =	vst.idx.add.f32.msk $0xffff, v1  }
0x54: {  	_ =	swait.ge [sflag:s26], $0x800  }
0x55: {  	[sflag:s26] =	ssyncset.done $0x0  }
0x56: {  	s0 =	simm.s32 $0x840;
	[sflag:s26] =	ssyncadd.s32 $0xFFFFF800  }
0x57: {  	[tilespmem:s2], [sflag:$0x1] =	stream.linear.gather [hbm4b:s7+s2], $0x800, $0x38;
	[tilespmem:$0x10E80] =	vst v63  }
0x58: {  	v2 =	vld [tilespmem:s0+$0x30]  }
0x59: {  	v3 =	vld [tilespmem:s0+$0xFFFFFFD0]  }
0x5a: {  	v4 =	vld [tilespmem:s0+$0xFFFFFFE0]  }
0x5b: {  	v5 =	vld [tilespmem:s0+$0xFFFFFFF0];
	_ =	sdelay $0x1  }
0x5c: {  	v6 =	vand.u32 $0xFFFF, v2  }
0x5d: {  	v10 =	vld [tilespmem:s0+$0x10];
	v8 =	vand.u32 $0xFFFF, v3  }
0x5e: {  	v7 =	vld [tilespmem:s0+$0x0];
	v12 =	vand.u32 $0xFFFF, v4  }
0x5f: {  	v9 =	vld [tilespmem:s0+$0xFFFFFFC0];
	v60 =	vand.u32 $0xFFFF, v5  }
0x60: {  	v11 =	vld [tilespmem:s0+$0x20];
	v2 =	vshrl.u32 v2, $0x10  }
0x61: {  	v3 =	vshrl.u32 v3, $0x10;
	[tilespmem:v6+s25+$0x0] =	vst.idx.add.f32.msk $0xffff, v1  }
0x62: {  	v62 =	vand.u32 $0xFFFF, v10;
	[tilespmem:v8+s25+$0x0] =	vst.idx.add.f32.msk $0xffff, v1  }
0x63: {  	v4 =	vshrl.u32 v4, $0x10;
	[tilespmem:v12+s25+$0x0] =	vst.idx.add.f32.msk $0xffff, v1  }
0x64: {  	v63 =	vshrl.u32 v10, $0x10;
	[tilespmem:v60+s25+$0x0] =	vst.idx.add.f32.msk $0xffff, v1  }
0x65: {  	[tilespmem:v2+s25+$0x0] =	vst.idx.add.f32.msk $0xffff, v1;
	v2 =	vand.u32 $0xFFFF, v9  }
0x66: {  	[tilespmem:v3+s25+$0x0] =	vst.idx.add.f32.msk $0xffff, v1;
	v3 =	vshrl.u32 v5, $0x10  }
0x67: {  	[tilespmem:v62+s25+$0x0] =	vst.idx.add.f32.msk $0xffff, v1;
	v5 =	vand.u32 $0xFFFF, v7  }
0x68: {  	v61 =	vshrl.u32 v9, $0x10;
	[tilespmem:v4+s25+$0x0] =	vst.idx.add.f32.msk $0xffff, v1  }
0x69: {  	v4 =	vshrl.u32 v7, $0x10;
	[tilespmem:v63+s25+$0x0] =	vst.idx.add.f32.msk $0xffff, v1  }
0x6a: {  	[tilespmem:v2+s25+$0x0] =	vst.idx.add.f32.msk $0xffff, v1  }
0x6b: {  	[tilespmem:v3+s25+$0x0] =	vst.idx.add.f32.msk $0xffff, v1  }
0x6c: {  	[tilespmem:v5+s25+$0x0] =	vst.idx.add.f32.msk $0xffff, v1  }
0x6d: {  	[tilespmem:v61+s25+$0x0] =	vst.idx.add.f32.msk $0xffff, v1  }
0x6e: {  	s3 =	simm.s32 $0x8C0;
	s0 =	simm.s32 $0x0;
	v2 =	vshrl.u32 v11, $0x10;
	v3 =	vand.u32 $0xFFFF, v11;
	[tilespmem:v4+s25+$0x0] =	vst.idx.add.f32.msk $0xffff, v1  }
.LBB2_6:
0x6f: {  	v4 =	vld [tilespmem:s3+$0x30]  }
0x70: {  	s0 =	sadd.s32 $0x8, s0;
	v5 =	vld [tilespmem:s3+$0xFFFFFFD0]  }
0x71: {  	p0 =	slt.u32 s0, $0x78;
	v6 =	vld [tilespmem:s3+$0xFFFFFFE0]  }
0x72: {  	v7 =	vld [tilespmem:s3+$0xFFFFFFF0]  }
0x73: {  	v8 =	vld [tilespmem:s3+$0x0]  }
0x74: {  	v9 =	vld [tilespmem:s3+$0x10];
	v10 =	vand.u32 $0xFFFF, v4  }
0x75: {  	v4 =	vshrl.u32 v4, $0x10;
	v11 =	vshrl.u32 v5, $0x10;
	v5 =	vand.u32 $0xFFFF, v5;
	v12 =	vld [tilespmem:s3+$0x20]  }
0x76: {  	v13 =	vld [tilespmem:s3+$0xFFFFFFC0];
	v14 =	vshrl.u32 v6, $0x10;
	v6 =	vand.u32 $0xFFFF, v6  }
0x77: {  	v15 =	vshrl.u32 v7, $0x10;
	v7 =	vand.u32 $0xFFFF, v7;
	[tilespmem:v3+s25+$0x0] =	vst.idx.add.f32.msk $0xffff, v1  }
0x78: {  	v16 =	vshrl.u32 v8, $0x10;
	v8 =	vand.u32 $0xFFFF, v8;
	[tilespmem:v2+s25+$0x0] =	vst.idx.add.f32.msk $0xffff, v1  }
0x79: {  	v17 =	vshrl.u32 v9, $0x10;
	v9 =	vand.u32 $0xFFFF, v9;
	[tilespmem:v10+s25+$0x0] =	vst.idx.add.f32.msk $0xffff, v1  }
0x7a: {  	v2 =	vshrl.u32 v12, $0x10;
	v3 =	vand.u32 $0xFFFF, v12;
	[tilespmem:v4+s25+$0x0] =	vst.idx.add.f32.msk $0xffff, v1  }
0x7b: {  	v4 =	vshrl.u32 v13, $0x10;
	v10 =	vand.u32 $0xFFFF, v13;
	[tilespmem:v5+s25+$0x0] =	vst.idx.add.f32.msk $0xffff, v1  }
0x7c: {  	[tilespmem:v11+s25+$0x0] =	vst.idx.add.f32.msk $0xffff, v1  }
0x7d: {  	[tilespmem:v6+s25+$0x0] =	vst.idx.add.f32.msk $0xffff, v1  }
0x7e: {  	[tilespmem:v14+s25+$0x0] =	vst.idx.add.f32.msk $0xffff, v1  }
0x7f: {  	[tilespmem:v7+s25+$0x0] =	vst.idx.add.f32.msk $0xffff, v1  }
0x80: {  	[tilespmem:v10+s25+$0x0] =	vst.idx.add.f32.msk $0xffff, v1  }
0x81: {  	[tilespmem:v4+s25+$0x0] =	vst.idx.add.f32.msk $0xffff, v1  }
.Ltmp2:
0x82: {  	[tilespmem:v15+s25+$0x0] =	vst.idx.add.f32.msk $0xffff, v1;
	(pc) =	sbr.rel @p0 .LBB2_6-.Ltmp2, $4  }
0x83: {  	[tilespmem:v8+s25+$0x0] =	vst.idx.add.f32.msk $0xffff, v1  }
0x84: {  	[tilespmem:v16+s25+$0x0] =	vst.idx.add.f32.msk $0xffff, v1  }
0x85: {  	[tilespmem:v9+s25+$0x0] =	vst.idx.add.f32.msk $0xffff, v1  }
0x86: {  	s3 =	sadd.s32 $0x80, s3;
	[tilespmem:v17+s25+$0x0] =	vst.idx.add.f32.msk $0xffff, v1  }
0x87: {  	_ =	sdelay $0x3  }
0x88: {  	[tilespmem:v3+s25+$0x0] =	vst.idx.add.f32.msk $0xffff, v1  }
0x89: {  	[tilespmem:v2+s25+$0x0] =	vst.idx.add.f32.msk $0xffff, v1  }
0x8a: {  	_ =	swait.ge [sflag:s28], $0x800  }
0x8b: {  	[sflag:s28] =	ssyncset.done $0x0  }
0x8c: {  	s0 =	simm.s32 $0x1040;
	[sflag:s28] =	ssyncadd.s32 $0xFFFFF800  }
0x8d: {  	[tilespmem:s21], [sflag:$0x2] =	stream.linear.gather [hbm4b:s8+s2], $0x800, $0x38;
	[tilespmem:$0x10E80] =	vst v63  }
0x8e: {  	v2 =	vld [tilespmem:s0+$0x30]  }
0x8f: {  	v3 =	vld [tilespmem:s0+$0xFFFFFFD0]  }
0x90: {  	v4 =	vld [tilespmem:s0+$0xFFFFFFE0]  }
0x91: {  	v5 =	vld [tilespmem:s0+$0xFFFFFFF0];
	_ =	sdelay $0x1  }
0x92: {  	v6 =	vand.u32 $0xFFFF, v2  }
0x93: {  	v10 =	vld [tilespmem:s0+$0x10];
	v8 =	vand.u32 $0xFFFF, v3  }
0x94: {  	v7 =	vld [tilespmem:s0+$0x0];
	v12 =	vand.u32 $0xFFFF, v4  }
0x95: {  	v9 =	vld [tilespmem:s0+$0xFFFFFFC0];
	v60 =	vand.u32 $0xFFFF, v5  }
0x96: {  	v11 =	vld [tilespmem:s0+$0x20];
	v2 =	vshrl.u32 v2, $0x10  }
0x97: {  	v3 =	vshrl.u32 v3, $0x10;
	[tilespmem:v6+s25+$0x0] =	vst.idx.add.f32.msk $0xffff, v1  }
0x98: {  	v62 =	vand.u32 $0xFFFF, v10;
	[tilespmem:v8+s25+$0x0] =	vst.idx.add.f32.msk $0xffff, v1  }
0x99: {  	v4 =	vshrl.u32 v4, $0x10;
	[tilespmem:v12+s25+$0x0] =	vst.idx.add.f32.msk $0xffff, v1  }
0x9a: {  	v63 =	vshrl.u32 v10, $0x10;
	[tilespmem:v60+s25+$0x0] =	vst.idx.add.f32.msk $0xffff, v1  }
0x9b: {  	[tilespmem:v2+s25+$0x0] =	vst.idx.add.f32.msk $0xffff, v1;
	v2 =	vand.u32 $0xFFFF, v9  }
0x9c: {  	[tilespmem:v3+s25+$0x0] =	vst.idx.add.f32.msk $0xffff, v1;
	v3 =	vshrl.u32 v5, $0x10  }
0x9d: {  	[tilespmem:v62+s25+$0x0] =	vst.idx.add.f32.msk $0xffff, v1;
	v5 =	vand.u32 $0xFFFF, v7  }
0x9e: {  	v61 =	vshrl.u32 v9, $0x10;
	[tilespmem:v4+s25+$0x0] =	vst.idx.add.f32.msk $0xffff, v1  }
0x9f: {  	v4 =	vshrl.u32 v7, $0x10;
	[tilespmem:v63+s25+$0x0] =	vst.idx.add.f32.msk $0xffff, v1  }
0xa0: {  	[tilespmem:v2+s25+$0x0] =	vst.idx.add.f32.msk $0xffff, v1  }
0xa1: {  	[tilespmem:v3+s25+$0x0] =	vst.idx.add.f32.msk $0xffff, v1  }
0xa2: {  	[tilespmem:v5+s25+$0x0] =	vst.idx.add.f32.msk $0xffff, v1  }
0xa3: {  	[tilespmem:v61+s25+$0x0] =	vst.idx.add.f32.msk $0xffff, v1  }
0xa4: {  	s3 =	simm.s32 $0x10C0;
	s0 =	simm.s32 $0x0;
	v2 =	vshrl.u32 v11, $0x10;
	v3 =	vand.u32 $0xFFFF, v11;
	[tilespmem:v4+s25+$0x0] =	vst.idx.add.f32.msk $0xffff, v1  }
.LBB2_8:
0xa5: {  	v4 =	vld [tilespmem:s3+$0x30]  }
0xa6: {  	s0 =	sadd.s32 $0x8, s0;
	v5 =	vld [tilespmem:s3+$0xFFFFFFD0]  }
0xa7: {  	p0 =	slt.u32 s0, $0x78;
	v6 =	vld [tilespmem:s3+$0xFFFFFFE0]  }
0xa8: {  	v7 =	vld [tilespmem:s3+$0xFFFFFFF0]  }
0xa9: {  	v8 =	vld [tilespmem:s3+$0x0]  }
0xaa: {  	v9 =	vld [tilespmem:s3+$0x10];
	v10 =	vand.u32 $0xFFFF, v4  }
0xab: {  	v4 =	vshrl.u32 v4, $0x10;
	v11 =	vshrl.u32 v5, $0x10;
	v5 =	vand.u32 $0xFFFF, v5;
	v12 =	vld [tilespmem:s3+$0x20]  }
0xac: {  	v13 =	vld [tilespmem:s3+$0xFFFFFFC0];
	v14 =	vshrl.u32 v6, $0x10;
	v6 =	vand.u32 $0xFFFF, v6  }
0xad: {  	v15 =	vshrl.u32 v7, $0x10;
	v7 =	vand.u32 $0xFFFF, v7;
	[tilespmem:v3+s25+$0x0] =	vst.idx.add.f32.msk $0xffff, v1  }
0xae: {  	v16 =	vshrl.u32 v8, $0x10;
	v8 =	vand.u32 $0xFFFF, v8;
	[tilespmem:v2+s25+$0x0] =	vst.idx.add.f32.msk $0xffff, v1  }
0xaf: {  	v17 =	vshrl.u32 v9, $0x10;
	v9 =	vand.u32 $0xFFFF, v9;
	[tilespmem:v10+s25+$0x0] =	vst.idx.add.f32.msk $0xffff, v1  }
0xb0: {  	v2 =	vshrl.u32 v12, $0x10;
	v3 =	vand.u32 $0xFFFF, v12;
	[tilespmem:v4+s25+$0x0] =	vst.idx.add.f32.msk $0xffff, v1  }
0xb1: {  	v4 =	vshrl.u32 v13, $0x10;
	v10 =	vand.u32 $0xFFFF, v13;
	[tilespmem:v5+s25+$0x0] =	vst.idx.add.f32.msk $0xffff, v1  }
0xb2: {  	[tilespmem:v11+s25+$0x0] =	vst.idx.add.f32.msk $0xffff, v1  }
0xb3: {  	[tilespmem:v6+s25+$0x0] =	vst.idx.add.f32.msk $0xffff, v1  }
0xb4: {  	[tilespmem:v14+s25+$0x0] =	vst.idx.add.f32.msk $0xffff, v1  }
0xb5: {  	[tilespmem:v7+s25+$0x0] =	vst.idx.add.f32.msk $0xffff, v1  }
0xb6: {  	[tilespmem:v10+s25+$0x0] =	vst.idx.add.f32.msk $0xffff, v1  }
0xb7: {  	[tilespmem:v4+s25+$0x0] =	vst.idx.add.f32.msk $0xffff, v1  }
.Ltmp3:
0xb8: {  	[tilespmem:v15+s25+$0x0] =	vst.idx.add.f32.msk $0xffff, v1;
	(pc) =	sbr.rel @p0 .LBB2_8-.Ltmp3, $4  }
0xb9: {  	[tilespmem:v8+s25+$0x0] =	vst.idx.add.f32.msk $0xffff, v1  }
0xba: {  	[tilespmem:v16+s25+$0x0] =	vst.idx.add.f32.msk $0xffff, v1  }
0xbb: {  	[tilespmem:v9+s25+$0x0] =	vst.idx.add.f32.msk $0xffff, v1  }
0xbc: {  	s3 =	sadd.s32 $0x80, s3;
	[tilespmem:v17+s25+$0x0] =	vst.idx.add.f32.msk $0xffff, v1  }
0xbd: {  	_ =	sdelay $0x3  }
0xbe: {  	[tilespmem:v3+s25+$0x0] =	vst.idx.add.f32.msk $0xffff, v1  }
0xbf: {  	[tilespmem:v2+s25+$0x0] =	vst.idx.add.f32.msk $0xffff, v1  }
0xc0: {  	_ =	swait.ge [sflag:s29], $0x800  }
0xc1: {  	[sflag:s29] =	ssyncset.done $0x0  }
0xc2: {  	s0 =	simm.s32 $0x1840;
	[sflag:s29] =	ssyncadd.s32 $0xFFFFF800  }
0xc3: {  	[tilespmem:s22], [sflag:$0x3] =	stream.linear.gather [hbm4b:s9+s2], $0x800, $0x38;
	[tilespmem:$0x10E80] =	vst v63  }
0xc4: {  	v2 =	vld [tilespmem:s0+$0x30]  }
0xc5: {  	v3 =	vld [tilespmem:s0+$0xFFFFFFD0]  }
0xc6: {  	v4 =	vld [tilespmem:s0+$0xFFFFFFE0]  }
0xc7: {  	v5 =	vld [tilespmem:s0+$0xFFFFFFF0];
	_ =	sdelay $0x1  }
0xc8: {  	v6 =	vand.u32 $0xFFFF, v2  }
0xc9: {  	v10 =	vld [tilespmem:s0+$0x10];
	v8 =	vand.u32 $0xFFFF, v3  }
0xca: {  	v7 =	vld [tilespmem:s0+$0x0];
	v12 =	vand.u32 $0xFFFF, v4  }
0xcb: {  	v9 =	vld [tilespmem:s0+$0xFFFFFFC0];
	v60 =	vand.u32 $0xFFFF, v5  }
0xcc: {  	v11 =	vld [tilespmem:s0+$0x20];
	v2 =	vshrl.u32 v2, $0x10  }
0xcd: {  	v3 =	vshrl.u32 v3, $0x10;
	[tilespmem:v6+s25+$0x0] =	vst.idx.add.f32.msk $0xffff, v1  }
0xce: {  	v62 =	vand.u32 $0xFFFF, v10;
	[tilespmem:v8+s25+$0x0] =	vst.idx.add.f32.msk $0xffff, v1  }
0xcf: {  	v4 =	vshrl.u32 v4, $0x10;
	[tilespmem:v12+s25+$0x0] =	vst.idx.add.f32.msk $0xffff, v1  }
0xd0: {  	v63 =	vshrl.u32 v10, $0x10;
	[tilespmem:v60+s25+$0x0] =	vst.idx.add.f32.msk $0xffff, v1  }
0xd1: {  	[tilespmem:v2+s25+$0x0] =	vst.idx.add.f32.msk $0xffff, v1;
	v2 =	vand.u32 $0xFFFF, v9  }
0xd2: {  	[tilespmem:v3+s25+$0x0] =	vst.idx.add.f32.msk $0xffff, v1;
	v3 =	vshrl.u32 v5, $0x10  }
0xd3: {  	[tilespmem:v62+s25+$0x0] =	vst.idx.add.f32.msk $0xffff, v1;
	v5 =	vand.u32 $0xFFFF, v7  }
0xd4: {  	v61 =	vshrl.u32 v9, $0x10;
	[tilespmem:v4+s25+$0x0] =	vst.idx.add.f32.msk $0xffff, v1  }
0xd5: {  	v4 =	vshrl.u32 v7, $0x10;
	[tilespmem:v63+s25+$0x0] =	vst.idx.add.f32.msk $0xffff, v1  }
0xd6: {  	[tilespmem:v2+s25+$0x0] =	vst.idx.add.f32.msk $0xffff, v1  }
0xd7: {  	[tilespmem:v3+s25+$0x0] =	vst.idx.add.f32.msk $0xffff, v1  }
0xd8: {  	[tilespmem:v5+s25+$0x0] =	vst.idx.add.f32.msk $0xffff, v1  }
0xd9: {  	[tilespmem:v61+s25+$0x0] =	vst.idx.add.f32.msk $0xffff, v1  }
0xda: {  	s3 =	simm.s32 $0x18C0;
	s0 =	simm.s32 $0x0;
	v2 =	vshrl.u32 v11, $0x10;
	v3 =	vand.u32 $0xFFFF, v11;
	[tilespmem:v4+s25+$0x0] =	vst.idx.add.f32.msk $0xffff, v1  }
.LBB2_10:
0xdb: {  	v4 =	vld [tilespmem:s3+$0x30]  }
0xdc: {  	s0 =	sadd.s32 $0x8, s0;
	v5 =	vld [tilespmem:s3+$0xFFFFFFD0]  }
0xdd: {  	p0 =	slt.u32 s0, $0x78;
	v6 =	vld [tilespmem:s3+$0xFFFFFFE0]  }
0xde: {  	v7 =	vld [tilespmem:s3+$0xFFFFFFF0]  }
0xdf: {  	v8 =	vld [tilespmem:s3+$0x0]  }
0xe0: {  	v9 =	vld [tilespmem:s3+$0x10];
	v10 =	vand.u32 $0xFFFF, v4  }
0xe1: {  	v4 =	vshrl.u32 v4, $0x10;
	v11 =	vshrl.u32 v5, $0x10;
	v5 =	vand.u32 $0xFFFF, v5;
	v12 =	vld [tilespmem:s3+$0x20]  }
0xe2: {  	v13 =	vld [tilespmem:s3+$0xFFFFFFC0];
	v14 =	vshrl.u32 v6, $0x10;
	v6 =	vand.u32 $0xFFFF, v6  }
0xe3: {  	v15 =	vshrl.u32 v7, $0x10;
	v7 =	vand.u32 $0xFFFF, v7;
	[tilespmem:v3+s25+$0x0] =	vst.idx.add.f32.msk $0xffff, v1  }
0xe4: {  	v16 =	vshrl.u32 v8, $0x10;
	v8 =	vand.u32 $0xFFFF, v8;
	[tilespmem:v2+s25+$0x0] =	vst.idx.add.f32.msk $0xffff, v1  }
0xe5: {  	v17 =	vshrl.u32 v9, $0x10;
	v9 =	vand.u32 $0xFFFF, v9;
	[tilespmem:v10+s25+$0x0] =	vst.idx.add.f32.msk $0xffff, v1  }
0xe6: {  	v2 =	vshrl.u32 v12, $0x10;
	v3 =	vand.u32 $0xFFFF, v12;
	[tilespmem:v4+s25+$0x0] =	vst.idx.add.f32.msk $0xffff, v1  }
0xe7: {  	v4 =	vshrl.u32 v13, $0x10;
	v10 =	vand.u32 $0xFFFF, v13;
	[tilespmem:v5+s25+$0x0] =	vst.idx.add.f32.msk $0xffff, v1  }
0xe8: {  	[tilespmem:v11+s25+$0x0] =	vst.idx.add.f32.msk $0xffff, v1  }
0xe9: {  	[tilespmem:v6+s25+$0x0] =	vst.idx.add.f32.msk $0xffff, v1  }
0xea: {  	[tilespmem:v14+s25+$0x0] =	vst.idx.add.f32.msk $0xffff, v1  }
0xeb: {  	[tilespmem:v7+s25+$0x0] =	vst.idx.add.f32.msk $0xffff, v1  }
0xec: {  	[tilespmem:v10+s25+$0x0] =	vst.idx.add.f32.msk $0xffff, v1  }
0xed: {  	[tilespmem:v4+s25+$0x0] =	vst.idx.add.f32.msk $0xffff, v1  }
.Ltmp4:
0xee: {  	[tilespmem:v15+s25+$0x0] =	vst.idx.add.f32.msk $0xffff, v1;
	(pc) =	sbr.rel @p0 .LBB2_10-.Ltmp4, $4  }
0xef: {  	[tilespmem:v8+s25+$0x0] =	vst.idx.add.f32.msk $0xffff, v1  }
0xf0: {  	[tilespmem:v16+s25+$0x0] =	vst.idx.add.f32.msk $0xffff, v1  }
0xf1: {  	[tilespmem:v9+s25+$0x0] =	vst.idx.add.f32.msk $0xffff, v1  }
0xf2: {  	s3 =	sadd.s32 $0x80, s3;
	[tilespmem:v17+s25+$0x0] =	vst.idx.add.f32.msk $0xffff, v1  }
0xf3: {  	_ =	sdelay $0x3  }
0xf4: {  	[tilespmem:v3+s25+$0x0] =	vst.idx.add.f32.msk $0xffff, v1  }
0xf5: {  	[tilespmem:v2+s25+$0x0] =	vst.idx.add.f32.msk $0xffff, v1  }
0xf6: {  	_ =	swait.ge [sflag:s23], $0x800  }
0xf7: {  	[sflag:s23] =	ssyncset.done $0x0  }
0xf8: {  	s0 =	simm.s32 $0x40;
	[sflag:s23] =	ssyncadd.s32 $0xFFFFF800  }
0xf9: {  	[tilespmem:s24], [sflag:$0x4] =	stream.linear.gather [hbm4b:s10+s2], $0x800, $0x38;
	[tilespmem:$0x10E80] =	vst v63  }
0xfa: {  	v2 =	vld [tilespmem:s0+$0x30]  }
0xfb: {  	v3 =	vld [tilespmem:s0+$0xFFFFFFD0]  }
0xfc: {  	v4 =	vld [tilespmem:s0+$0xFFFFFFE0]  }
0xfd: {  	v5 =	vld [tilespmem:s0+$0xFFFFFFF0];
	_ =	sdelay $0x1  }
0xfe: {  	v6 =	vand.u32 $0xFFFF, v2  }
0xff: {  	v10 =	vld [tilespmem:s0+$0x10];
	v8 =	vand.u32 $0xFFFF, v3  }
0x100: {  	v7 =	vld [tilespmem:s0+$0x0];
	v12 =	vand.u32 $0xFFFF, v4  }
0x101: {  	v9 =	vld [tilespmem:s0+$0xFFFFFFC0];
	v60 =	vand.u32 $0xFFFF, v5  }
0x102: {  	v11 =	vld [tilespmem:s0+$0x20];
	v2 =	vshrl.u32 v2, $0x10  }
0x103: {  	v3 =	vshrl.u32 v3, $0x10;
	[tilespmem:v6+s25+$0x0] =	vst.idx.add.f32.msk $0xffff, v1  }
0x104: {  	v62 =	vand.u32 $0xFFFF, v10;
	[tilespmem:v8+s25+$0x0] =	vst.idx.add.f32.msk $0xffff, v1  }
0x105: {  	v4 =	vshrl.u32 v4, $0x10;
	[tilespmem:v12+s25+$0x0] =	vst.idx.add.f32.msk $0xffff, v1  }
0x106: {  	v63 =	vshrl.u32 v10, $0x10;
	[tilespmem:v60+s25+$0x0] =	vst.idx.add.f32.msk $0xffff, v1  }
0x107: {  	[tilespmem:v2+s25+$0x0] =	vst.idx.add.f32.msk $0xffff, v1;
	v2 =	vand.u32 $0xFFFF, v9  }
0x108: {  	[tilespmem:v3+s25+$0x0] =	vst.idx.add.f32.msk $0xffff, v1;
	v3 =	vshrl.u32 v5, $0x10  }
0x109: {  	[tilespmem:v62+s25+$0x0] =	vst.idx.add.f32.msk $0xffff, v1;
	v5 =	vand.u32 $0xFFFF, v7  }
0x10a: {  	v61 =	vshrl.u32 v9, $0x10;
	[tilespmem:v4+s25+$0x0] =	vst.idx.add.f32.msk $0xffff, v1  }
0x10b: {  	v4 =	vshrl.u32 v7, $0x10;
	[tilespmem:v63+s25+$0x0] =	vst.idx.add.f32.msk $0xffff, v1  }
0x10c: {  	[tilespmem:v2+s25+$0x0] =	vst.idx.add.f32.msk $0xffff, v1  }
0x10d: {  	[tilespmem:v3+s25+$0x0] =	vst.idx.add.f32.msk $0xffff, v1  }
0x10e: {  	[tilespmem:v5+s25+$0x0] =	vst.idx.add.f32.msk $0xffff, v1  }
0x10f: {  	[tilespmem:v61+s25+$0x0] =	vst.idx.add.f32.msk $0xffff, v1  }
0x110: {  	s3 =	simm.s32 $0xC0;
	s0 =	simm.s32 $0x0;
	v2 =	vshrl.u32 v11, $0x10;
	v3 =	vand.u32 $0xFFFF, v11;
	[tilespmem:v4+s25+$0x0] =	vst.idx.add.f32.msk $0xffff, v1  }
.LBB2_12:
0x111: {  	v4 =	vld [tilespmem:s3+$0x30]  }
0x112: {  	s0 =	sadd.s32 $0x8, s0;
	v5 =	vld [tilespmem:s3+$0xFFFFFFD0]  }
0x113: {  	p0 =	slt.u32 s0, $0x78;
	v6 =	vld [tilespmem:s3+$0xFFFFFFE0]  }
0x114: {  	v7 =	vld [tilespmem:s3+$0xFFFFFFF0]  }
0x115: {  	v8 =	vld [tilespmem:s3+$0x0]  }
0x116: {  	v9 =	vld [tilespmem:s3+$0x10];
	v10 =	vand.u32 $0xFFFF, v4  }
0x117: {  	v4 =	vshrl.u32 v4, $0x10;
	v11 =	vshrl.u32 v5, $0x10;
	v5 =	vand.u32 $0xFFFF, v5;
	v12 =	vld [tilespmem:s3+$0x20]  }
0x118: {  	v13 =	vld [tilespmem:s3+$0xFFFFFFC0];
	v14 =	vshrl.u32 v6, $0x10;
	v6 =	vand.u32 $0xFFFF, v6  }
0x119: {  	v15 =	vshrl.u32 v7, $0x10;
	v7 =	vand.u32 $0xFFFF, v7;
	[tilespmem:v3+s25+$0x0] =	vst.idx.add.f32.msk $0xffff, v1  }
0x11a: {  	v16 =	vshrl.u32 v8, $0x10;
	v8 =	vand.u32 $0xFFFF, v8;
	[tilespmem:v2+s25+$0x0] =	vst.idx.add.f32.msk $0xffff, v1  }
0x11b: {  	v17 =	vshrl.u32 v9, $0x10;
	v9 =	vand.u32 $0xFFFF, v9;
	[tilespmem:v10+s25+$0x0] =	vst.idx.add.f32.msk $0xffff, v1  }
0x11c: {  	v2 =	vshrl.u32 v12, $0x10;
	v3 =	vand.u32 $0xFFFF, v12;
	[tilespmem:v4+s25+$0x0] =	vst.idx.add.f32.msk $0xffff, v1  }
0x11d: {  	v4 =	vshrl.u32 v13, $0x10;
	v10 =	vand.u32 $0xFFFF, v13;
	[tilespmem:v5+s25+$0x0] =	vst.idx.add.f32.msk $0xffff, v1  }
0x11e: {  	[tilespmem:v11+s25+$0x0] =	vst.idx.add.f32.msk $0xffff, v1  }
0x11f: {  	[tilespmem:v6+s25+$0x0] =	vst.idx.add.f32.msk $0xffff, v1  }
0x120: {  	[tilespmem:v14+s25+$0x0] =	vst.idx.add.f32.msk $0xffff, v1  }
0x121: {  	[tilespmem:v7+s25+$0x0] =	vst.idx.add.f32.msk $0xffff, v1  }
0x122: {  	[tilespmem:v10+s25+$0x0] =	vst.idx.add.f32.msk $0xffff, v1  }
0x123: {  	[tilespmem:v4+s25+$0x0] =	vst.idx.add.f32.msk $0xffff, v1  }
.Ltmp5:
0x124: {  	[tilespmem:v15+s25+$0x0] =	vst.idx.add.f32.msk $0xffff, v1;
	(pc) =	sbr.rel @p0 .LBB2_12-.Ltmp5, $4  }
0x125: {  	[tilespmem:v8+s25+$0x0] =	vst.idx.add.f32.msk $0xffff, v1  }
0x126: {  	[tilespmem:v16+s25+$0x0] =	vst.idx.add.f32.msk $0xffff, v1  }
0x127: {  	[tilespmem:v9+s25+$0x0] =	vst.idx.add.f32.msk $0xffff, v1  }
0x128: {  	s3 =	sadd.s32 $0x80, s3;
	[tilespmem:v17+s25+$0x0] =	vst.idx.add.f32.msk $0xffff, v1  }
0x129: {  	_ =	sdelay $0x3  }
0x12a: {  	[tilespmem:v3+s25+$0x0] =	vst.idx.add.f32.msk $0xffff, v1  }
0x12b: {  	[tilespmem:v2+s25+$0x0] =	vst.idx.add.f32.msk $0xffff, v1  }
0x12c: {  	_ =	swait.ge [sflag:s26], $0x800  }
0x12d: {  	[sflag:s26] =	ssyncset.done $0x0  }
0x12e: {  	s0 =	simm.s32 $0x840;
	[sflag:s26] =	ssyncadd.s32 $0xFFFFF800  }
0x12f: {  	[tilespmem:s2], [sflag:$0x1] =	stream.linear.gather [hbm4b:s11+s2], $0x800, $0x38;
	[tilespmem:$0x10E80] =	vst v63  }
0x130: {  	v2 =	vld [tilespmem:s0+$0x30]  }
0x131: {  	v3 =	vld [tilespmem:s0+$0xFFFFFFD0]  }
0x132: {  	v4 =	vld [tilespmem:s0+$0xFFFFFFE0]  }
0x133: {  	v5 =	vld [tilespmem:s0+$0xFFFFFFF0];
	_ =	sdelay $0x1  }
0x134: {  	v6 =	vand.u32 $0xFFFF, v2  }
0x135: {  	v10 =	vld [tilespmem:s0+$0x10];
	v8 =	vand.u32 $0xFFFF, v3  }
0x136: {  	v7 =	vld [tilespmem:s0+$0x0];
	v12 =	vand.u32 $0xFFFF, v4  }
0x137: {  	v9 =	vld [tilespmem:s0+$0xFFFFFFC0];
	v60 =	vand.u32 $0xFFFF, v5  }
0x138: {  	v11 =	vld [tilespmem:s0+$0x20];
	v2 =	vshrl.u32 v2, $0x10  }
0x139: {  	v3 =	vshrl.u32 v3, $0x10;
	[tilespmem:v6+s25+$0x0] =	vst.idx.add.f32.msk $0xffff, v1  }
0x13a: {  	v62 =	vand.u32 $0xFFFF, v10;
	[tilespmem:v8+s25+$0x0] =	vst.idx.add.f32.msk $0xffff, v1  }
0x13b: {  	v4 =	vshrl.u32 v4, $0x10;
	[tilespmem:v12+s25+$0x0] =	vst.idx.add.f32.msk $0xffff, v1  }
0x13c: {  	v63 =	vshrl.u32 v10, $0x10;
	[tilespmem:v60+s25+$0x0] =	vst.idx.add.f32.msk $0xffff, v1  }
0x13d: {  	[tilespmem:v2+s25+$0x0] =	vst.idx.add.f32.msk $0xffff, v1;
	v2 =	vand.u32 $0xFFFF, v9  }
0x13e: {  	[tilespmem:v3+s25+$0x0] =	vst.idx.add.f32.msk $0xffff, v1;
	v3 =	vshrl.u32 v5, $0x10  }
0x13f: {  	[tilespmem:v62+s25+$0x0] =	vst.idx.add.f32.msk $0xffff, v1;
	v5 =	vand.u32 $0xFFFF, v7  }
0x140: {  	v61 =	vshrl.u32 v9, $0x10;
	[tilespmem:v4+s25+$0x0] =	vst.idx.add.f32.msk $0xffff, v1  }
0x141: {  	v4 =	vshrl.u32 v7, $0x10;
	[tilespmem:v63+s25+$0x0] =	vst.idx.add.f32.msk $0xffff, v1  }
0x142: {  	[tilespmem:v2+s25+$0x0] =	vst.idx.add.f32.msk $0xffff, v1  }
0x143: {  	[tilespmem:v3+s25+$0x0] =	vst.idx.add.f32.msk $0xffff, v1  }
0x144: {  	[tilespmem:v5+s25+$0x0] =	vst.idx.add.f32.msk $0xffff, v1  }
0x145: {  	[tilespmem:v61+s25+$0x0] =	vst.idx.add.f32.msk $0xffff, v1  }
0x146: {  	s3 =	simm.s32 $0x8C0;
	s0 =	simm.s32 $0x0;
	v2 =	vshrl.u32 v11, $0x10;
	v3 =	vand.u32 $0xFFFF, v11;
	[tilespmem:v4+s25+$0x0] =	vst.idx.add.f32.msk $0xffff, v1  }
.LBB2_14:
0x147: {  	v4 =	vld [tilespmem:s3+$0x30]  }
0x148: {  	s0 =	sadd.s32 $0x8, s0;
	v5 =	vld [tilespmem:s3+$0xFFFFFFD0]  }
0x149: {  	p0 =	slt.u32 s0, $0x78;
	v6 =	vld [tilespmem:s3+$0xFFFFFFE0]  }
0x14a: {  	v7 =	vld [tilespmem:s3+$0xFFFFFFF0]  }
0x14b: {  	v8 =	vld [tilespmem:s3+$0x0]  }
0x14c: {  	v9 =	vld [tilespmem:s3+$0x10];
	v10 =	vand.u32 $0xFFFF, v4  }
0x14d: {  	v4 =	vshrl.u32 v4, $0x10;
	v11 =	vshrl.u32 v5, $0x10;
	v5 =	vand.u32 $0xFFFF, v5;
	v12 =	vld [tilespmem:s3+$0x20]  }
0x14e: {  	v13 =	vld [tilespmem:s3+$0xFFFFFFC0];
	v14 =	vshrl.u32 v6, $0x10;
	v6 =	vand.u32 $0xFFFF, v6  }
0x14f: {  	v15 =	vshrl.u32 v7, $0x10;
	v7 =	vand.u32 $0xFFFF, v7;
	[tilespmem:v3+s25+$0x0] =	vst.idx.add.f32.msk $0xffff, v1  }
0x150: {  	v16 =	vshrl.u32 v8, $0x10;
	v8 =	vand.u32 $0xFFFF, v8;
	[tilespmem:v2+s25+$0x0] =	vst.idx.add.f32.msk $0xffff, v1  }
0x151: {  	v17 =	vshrl.u32 v9, $0x10;
	v9 =	vand.u32 $0xFFFF, v9;
	[tilespmem:v10+s25+$0x0] =	vst.idx.add.f32.msk $0xffff, v1  }
0x152: {  	v2 =	vshrl.u32 v12, $0x10;
	v3 =	vand.u32 $0xFFFF, v12;
	[tilespmem:v4+s25+$0x0] =	vst.idx.add.f32.msk $0xffff, v1  }
0x153: {  	v4 =	vshrl.u32 v13, $0x10;
	v10 =	vand.u32 $0xFFFF, v13;
	[tilespmem:v5+s25+$0x0] =	vst.idx.add.f32.msk $0xffff, v1  }
0x154: {  	[tilespmem:v11+s25+$0x0] =	vst.idx.add.f32.msk $0xffff, v1  }
0x155: {  	[tilespmem:v6+s25+$0x0] =	vst.idx.add.f32.msk $0xffff, v1  }
0x156: {  	[tilespmem:v14+s25+$0x0] =	vst.idx.add.f32.msk $0xffff, v1  }
0x157: {  	[tilespmem:v7+s25+$0x0] =	vst.idx.add.f32.msk $0xffff, v1  }
0x158: {  	[tilespmem:v10+s25+$0x0] =	vst.idx.add.f32.msk $0xffff, v1  }
0x159: {  	[tilespmem:v4+s25+$0x0] =	vst.idx.add.f32.msk $0xffff, v1  }
.Ltmp6:
0x15a: {  	[tilespmem:v15+s25+$0x0] =	vst.idx.add.f32.msk $0xffff, v1;
	(pc) =	sbr.rel @p0 .LBB2_14-.Ltmp6, $4  }
0x15b: {  	[tilespmem:v8+s25+$0x0] =	vst.idx.add.f32.msk $0xffff, v1  }
0x15c: {  	[tilespmem:v16+s25+$0x0] =	vst.idx.add.f32.msk $0xffff, v1  }
0x15d: {  	[tilespmem:v9+s25+$0x0] =	vst.idx.add.f32.msk $0xffff, v1  }
0x15e: {  	s3 =	sadd.s32 $0x80, s3;
	[tilespmem:v17+s25+$0x0] =	vst.idx.add.f32.msk $0xffff, v1  }
0x15f: {  	_ =	sdelay $0x3  }
0x160: {  	[tilespmem:v3+s25+$0x0] =	vst.idx.add.f32.msk $0xffff, v1  }
0x161: {  	[tilespmem:v2+s25+$0x0] =	vst.idx.add.f32.msk $0xffff, v1  }
0x162: {  	_ =	swait.ge [sflag:s28], $0x800  }
0x163: {  	[sflag:s28] =	ssyncset.done $0x0  }
0x164: {  	s0 =	simm.s32 $0x1040;
	[sflag:s28] =	ssyncadd.s32 $0xFFFFF800  }
0x165: {  	[tilespmem:s21], [sflag:$0x2] =	stream.linear.gather [hbm4b:s12+s2], $0x800, $0x38;
	[tilespmem:$0x10E80] =	vst v63  }
0x166: {  	v2 =	vld [tilespmem:s0+$0x30]  }
0x167: {  	v3 =	vld [tilespmem:s0+$0xFFFFFFD0]  }
0x168: {  	v4 =	vld [tilespmem:s0+$0xFFFFFFE0]  }
0x169: {  	v5 =	vld [tilespmem:s0+$0xFFFFFFF0];
	_ =	sdelay $0x1  }
0x16a: {  	v6 =	vand.u32 $0xFFFF, v2  }
0x16b: {  	v10 =	vld [tilespmem:s0+$0x10];
	v8 =	vand.u32 $0xFFFF, v3  }
0x16c: {  	v7 =	vld [tilespmem:s0+$0x0];
	v12 =	vand.u32 $0xFFFF, v4  }
0x16d: {  	v9 =	vld [tilespmem:s0+$0xFFFFFFC0];
	v60 =	vand.u32 $0xFFFF, v5  }
0x16e: {  	v11 =	vld [tilespmem:s0+$0x20];
	v2 =	vshrl.u32 v2, $0x10  }
0x16f: {  	v3 =	vshrl.u32 v3, $0x10;
	[tilespmem:v6+s25+$0x0] =	vst.idx.add.f32.msk $0xffff, v1  }
0x170: {  	v62 =	vand.u32 $0xFFFF, v10;
	[tilespmem:v8+s25+$0x0] =	vst.idx.add.f32.msk $0xffff, v1  }
0x171: {  	v4 =	vshrl.u32 v4, $0x10;
	[tilespmem:v12+s25+$0x0] =	vst.idx.add.f32.msk $0xffff, v1  }
0x172: {  	v63 =	vshrl.u32 v10, $0x10;
	[tilespmem:v60+s25+$0x0] =	vst.idx.add.f32.msk $0xffff, v1  }
0x173: {  	[tilespmem:v2+s25+$0x0] =	vst.idx.add.f32.msk $0xffff, v1;
	v2 =	vand.u32 $0xFFFF, v9  }
0x174: {  	[tilespmem:v3+s25+$0x0] =	vst.idx.add.f32.msk $0xffff, v1;
	v3 =	vshrl.u32 v5, $0x10  }
0x175: {  	[tilespmem:v62+s25+$0x0] =	vst.idx.add.f32.msk $0xffff, v1;
	v5 =	vand.u32 $0xFFFF, v7  }
0x176: {  	v61 =	vshrl.u32 v9, $0x10;
	[tilespmem:v4+s25+$0x0] =	vst.idx.add.f32.msk $0xffff, v1  }
0x177: {  	v4 =	vshrl.u32 v7, $0x10;
	[tilespmem:v63+s25+$0x0] =	vst.idx.add.f32.msk $0xffff, v1  }
0x178: {  	[tilespmem:v2+s25+$0x0] =	vst.idx.add.f32.msk $0xffff, v1  }
0x179: {  	[tilespmem:v3+s25+$0x0] =	vst.idx.add.f32.msk $0xffff, v1  }
0x17a: {  	[tilespmem:v5+s25+$0x0] =	vst.idx.add.f32.msk $0xffff, v1  }
0x17b: {  	[tilespmem:v61+s25+$0x0] =	vst.idx.add.f32.msk $0xffff, v1  }
0x17c: {  	s3 =	simm.s32 $0x10C0;
	s0 =	simm.s32 $0x0;
	v2 =	vshrl.u32 v11, $0x10;
	v3 =	vand.u32 $0xFFFF, v11;
	[tilespmem:v4+s25+$0x0] =	vst.idx.add.f32.msk $0xffff, v1  }
.LBB2_16:
0x17d: {  	v4 =	vld [tilespmem:s3+$0x30]  }
0x17e: {  	s0 =	sadd.s32 $0x8, s0;
	v5 =	vld [tilespmem:s3+$0xFFFFFFD0]  }
0x17f: {  	p0 =	slt.u32 s0, $0x78;
	v6 =	vld [tilespmem:s3+$0xFFFFFFE0]  }
0x180: {  	v7 =	vld [tilespmem:s3+$0xFFFFFFF0]  }
0x181: {  	v8 =	vld [tilespmem:s3+$0x0]  }
0x182: {  	v9 =	vld [tilespmem:s3+$0x10];
	v10 =	vand.u32 $0xFFFF, v4  }
0x183: {  	v4 =	vshrl.u32 v4, $0x10;
	v11 =	vshrl.u32 v5, $0x10;
	v5 =	vand.u32 $0xFFFF, v5;
	v12 =	vld [tilespmem:s3+$0x20]  }
0x184: {  	v13 =	vld [tilespmem:s3+$0xFFFFFFC0];
	v14 =	vshrl.u32 v6, $0x10;
	v6 =	vand.u32 $0xFFFF, v6  }
0x185: {  	v15 =	vshrl.u32 v7, $0x10;
	v7 =	vand.u32 $0xFFFF, v7;
	[tilespmem:v3+s25+$0x0] =	vst.idx.add.f32.msk $0xffff, v1  }
0x186: {  	v16 =	vshrl.u32 v8, $0x10;
	v8 =	vand.u32 $0xFFFF, v8;
	[tilespmem:v2+s25+$0x0] =	vst.idx.add.f32.msk $0xffff, v1  }
0x187: {  	v17 =	vshrl.u32 v9, $0x10;
	v9 =	vand.u32 $0xFFFF, v9;
	[tilespmem:v10+s25+$0x0] =	vst.idx.add.f32.msk $0xffff, v1  }
0x188: {  	v2 =	vshrl.u32 v12, $0x10;
	v3 =	vand.u32 $0xFFFF, v12;
	[tilespmem:v4+s25+$0x0] =	vst.idx.add.f32.msk $0xffff, v1  }
0x189: {  	v4 =	vshrl.u32 v13, $0x10;
	v10 =	vand.u32 $0xFFFF, v13;
	[tilespmem:v5+s25+$0x0] =	vst.idx.add.f32.msk $0xffff, v1  }
0x18a: {  	[tilespmem:v11+s25+$0x0] =	vst.idx.add.f32.msk $0xffff, v1  }
0x18b: {  	[tilespmem:v6+s25+$0x0] =	vst.idx.add.f32.msk $0xffff, v1  }
0x18c: {  	[tilespmem:v14+s25+$0x0] =	vst.idx.add.f32.msk $0xffff, v1  }
0x18d: {  	[tilespmem:v7+s25+$0x0] =	vst.idx.add.f32.msk $0xffff, v1  }
0x18e: {  	[tilespmem:v10+s25+$0x0] =	vst.idx.add.f32.msk $0xffff, v1  }
0x18f: {  	[tilespmem:v4+s25+$0x0] =	vst.idx.add.f32.msk $0xffff, v1  }
.Ltmp7:
0x190: {  	[tilespmem:v15+s25+$0x0] =	vst.idx.add.f32.msk $0xffff, v1;
	(pc) =	sbr.rel @p0 .LBB2_16-.Ltmp7, $4  }
0x191: {  	[tilespmem:v8+s25+$0x0] =	vst.idx.add.f32.msk $0xffff, v1  }
0x192: {  	[tilespmem:v16+s25+$0x0] =	vst.idx.add.f32.msk $0xffff, v1  }
0x193: {  	[tilespmem:v9+s25+$0x0] =	vst.idx.add.f32.msk $0xffff, v1  }
0x194: {  	s3 =	sadd.s32 $0x80, s3;
	[tilespmem:v17+s25+$0x0] =	vst.idx.add.f32.msk $0xffff, v1  }
0x195: {  	_ =	sdelay $0x3  }
0x196: {  	[tilespmem:v3+s25+$0x0] =	vst.idx.add.f32.msk $0xffff, v1  }
0x197: {  	[tilespmem:v2+s25+$0x0] =	vst.idx.add.f32.msk $0xffff, v1  }
0x198: {  	_ =	swait.ge [sflag:s29], $0x800  }
0x199: {  	[sflag:s29] =	ssyncset.done $0x0  }
0x19a: {  	s0 =	simm.s32 $0x1840;
	[sflag:s29] =	ssyncadd.s32 $0xFFFFF800  }
0x19b: {  	[tilespmem:s22], [sflag:$0x3] =	stream.linear.gather [hbm4b:s13+s2], $0x800, $0x38;
	[tilespmem:$0x10E80] =	vst v63  }
0x19c: {  	v2 =	vld [tilespmem:s0+$0x30]  }
0x19d: {  	v3 =	vld [tilespmem:s0+$0xFFFFFFD0]  }
0x19e: {  	v4 =	vld [tilespmem:s0+$0xFFFFFFE0]  }
0x19f: {  	v5 =	vld [tilespmem:s0+$0xFFFFFFF0];
	_ =	sdelay $0x1  }
0x1a0: {  	v6 =	vand.u32 $0xFFFF, v2  }
0x1a1: {  	v10 =	vld [tilespmem:s0+$0x10];
	v8 =	vand.u32 $0xFFFF, v3  }
0x1a2: {  	v7 =	vld [tilespmem:s0+$0x0];
	v12 =	vand.u32 $0xFFFF, v4  }
0x1a3: {  	v9 =	vld [tilespmem:s0+$0xFFFFFFC0];
	v60 =	vand.u32 $0xFFFF, v5  }
0x1a4: {  	v11 =	vld [tilespmem:s0+$0x20];
	v2 =	vshrl.u32 v2, $0x10  }
0x1a5: {  	v3 =	vshrl.u32 v3, $0x10;
	[tilespmem:v6+s25+$0x0] =	vst.idx.add.f32.msk $0xffff, v1  }
0x1a6: {  	v62 =	vand.u32 $0xFFFF, v10;
	[tilespmem:v8+s25+$0x0] =	vst.idx.add.f32.msk $0xffff, v1  }
0x1a7: {  	v4 =	vshrl.u32 v4, $0x10;
	[tilespmem:v12+s25+$0x0] =	vst.idx.add.f32.msk $0xffff, v1  }
0x1a8: {  	v63 =	vshrl.u32 v10, $0x10;
	[tilespmem:v60+s25+$0x0] =	vst.idx.add.f32.msk $0xffff, v1  }
0x1a9: {  	[tilespmem:v2+s25+$0x0] =	vst.idx.add.f32.msk $0xffff, v1;
	v2 =	vand.u32 $0xFFFF, v9  }
0x1aa: {  	[tilespmem:v3+s25+$0x0] =	vst.idx.add.f32.msk $0xffff, v1;
	v3 =	vshrl.u32 v5, $0x10  }
0x1ab: {  	[tilespmem:v62+s25+$0x0] =	vst.idx.add.f32.msk $0xffff, v1;
	v5 =	vand.u32 $0xFFFF, v7  }
0x1ac: {  	v61 =	vshrl.u32 v9, $0x10;
	[tilespmem:v4+s25+$0x0] =	vst.idx.add.f32.msk $0xffff, v1  }
0x1ad: {  	v4 =	vshrl.u32 v7, $0x10;
	[tilespmem:v63+s25+$0x0] =	vst.idx.add.f32.msk $0xffff, v1  }
0x1ae: {  	[tilespmem:v2+s25+$0x0] =	vst.idx.add.f32.msk $0xffff, v1  }
0x1af: {  	[tilespmem:v3+s25+$0x0] =	vst.idx.add.f32.msk $0xffff, v1  }
0x1b0: {  	[tilespmem:v5+s25+$0x0] =	vst.idx.add.f32.msk $0xffff, v1  }
0x1b1: {  	[tilespmem:v61+s25+$0x0] =	vst.idx.add.f32.msk $0xffff, v1  }
0x1b2: {  	s3 =	simm.s32 $0x18C0;
	s0 =	simm.s32 $0x0;
	v2 =	vshrl.u32 v11, $0x10;
	v3 =	vand.u32 $0xFFFF, v11;
	[tilespmem:v4+s25+$0x0] =	vst.idx.add.f32.msk $0xffff, v1  }
.LBB2_18:
0x1b3: {  	v4 =	vld [tilespmem:s3+$0x30]  }
0x1b4: {  	s0 =	sadd.s32 $0x8, s0;
	v5 =	vld [tilespmem:s3+$0xFFFFFFD0]  }
0x1b5: {  	p0 =	slt.u32 s0, $0x78;
	v6 =	vld [tilespmem:s3+$0xFFFFFFE0]  }
0x1b6: {  	v7 =	vld [tilespmem:s3+$0xFFFFFFF0]  }
0x1b7: {  	v8 =	vld [tilespmem:s3+$0x0]  }
0x1b8: {  	v9 =	vld [tilespmem:s3+$0x10];
	v10 =	vand.u32 $0xFFFF, v4  }
0x1b9: {  	v4 =	vshrl.u32 v4, $0x10;
	v11 =	vshrl.u32 v5, $0x10;
	v5 =	vand.u32 $0xFFFF, v5;
	v12 =	vld [tilespmem:s3+$0x20]  }
0x1ba: {  	v13 =	vld [tilespmem:s3+$0xFFFFFFC0];
	v14 =	vshrl.u32 v6, $0x10;
	v6 =	vand.u32 $0xFFFF, v6  }
0x1bb: {  	v15 =	vshrl.u32 v7, $0x10;
	v7 =	vand.u32 $0xFFFF, v7;
	[tilespmem:v3+s25+$0x0] =	vst.idx.add.f32.msk $0xffff, v1  }
0x1bc: {  	v16 =	vshrl.u32 v8, $0x10;
	v8 =	vand.u32 $0xFFFF, v8;
	[tilespmem:v2+s25+$0x0] =	vst.idx.add.f32.msk $0xffff, v1  }
0x1bd: {  	v17 =	vshrl.u32 v9, $0x10;
	v9 =	vand.u32 $0xFFFF, v9;
	[tilespmem:v10+s25+$0x0] =	vst.idx.add.f32.msk $0xffff, v1  }
0x1be: {  	v2 =	vshrl.u32 v12, $0x10;
	v3 =	vand.u32 $0xFFFF, v12;
	[tilespmem:v4+s25+$0x0] =	vst.idx.add.f32.msk $0xffff, v1  }
0x1bf: {  	v4 =	vshrl.u32 v13, $0x10;
	v10 =	vand.u32 $0xFFFF, v13;
	[tilespmem:v5+s25+$0x0] =	vst.idx.add.f32.msk $0xffff, v1  }
0x1c0: {  	[tilespmem:v11+s25+$0x0] =	vst.idx.add.f32.msk $0xffff, v1  }
0x1c1: {  	[tilespmem:v6+s25+$0x0] =	vst.idx.add.f32.msk $0xffff, v1  }
0x1c2: {  	[tilespmem:v14+s25+$0x0] =	vst.idx.add.f32.msk $0xffff, v1  }
0x1c3: {  	[tilespmem:v7+s25+$0x0] =	vst.idx.add.f32.msk $0xffff, v1  }
0x1c4: {  	[tilespmem:v10+s25+$0x0] =	vst.idx.add.f32.msk $0xffff, v1  }
0x1c5: {  	[tilespmem:v4+s25+$0x0] =	vst.idx.add.f32.msk $0xffff, v1  }
.Ltmp8:
0x1c6: {  	[tilespmem:v15+s25+$0x0] =	vst.idx.add.f32.msk $0xffff, v1;
	(pc) =	sbr.rel @p0 .LBB2_18-.Ltmp8, $4  }
0x1c7: {  	[tilespmem:v8+s25+$0x0] =	vst.idx.add.f32.msk $0xffff, v1  }
0x1c8: {  	[tilespmem:v16+s25+$0x0] =	vst.idx.add.f32.msk $0xffff, v1  }
0x1c9: {  	[tilespmem:v9+s25+$0x0] =	vst.idx.add.f32.msk $0xffff, v1  }
0x1ca: {  	s3 =	sadd.s32 $0x80, s3;
	[tilespmem:v17+s25+$0x0] =	vst.idx.add.f32.msk $0xffff, v1  }
0x1cb: {  	_ =	sdelay $0x3  }
0x1cc: {  	[tilespmem:v3+s25+$0x0] =	vst.idx.add.f32.msk $0xffff, v1  }
0x1cd: {  	[tilespmem:v2+s25+$0x0] =	vst.idx.add.f32.msk $0xffff, v1  }
0x1ce: {  	_ =	swait.ge [sflag:s23], $0x800  }
0x1cf: {  	[sflag:s23] =	ssyncset.done $0x0  }
0x1d0: {  	s0 =	simm.s32 $0x40;
	[sflag:s23] =	ssyncadd.s32 $0xFFFFF800  }
0x1d1: {  	[tilespmem:s24], [sflag:$0x4] =	stream.linear.gather [hbm4b:s14+s2], $0x800, $0x38;
	[tilespmem:$0x10E80] =	vst v63  }
0x1d2: {  	v2 =	vld [tilespmem:s0+$0x30]  }
0x1d3: {  	v3 =	vld [tilespmem:s0+$0xFFFFFFD0]  }
0x1d4: {  	v4 =	vld [tilespmem:s0+$0xFFFFFFE0]  }
0x1d5: {  	v5 =	vld [tilespmem:s0+$0xFFFFFFF0];
	_ =	sdelay $0x1  }
0x1d6: {  	v6 =	vand.u32 $0xFFFF, v2  }
0x1d7: {  	v10 =	vld [tilespmem:s0+$0x10];
	v8 =	vand.u32 $0xFFFF, v3  }
0x1d8: {  	v7 =	vld [tilespmem:s0+$0x0];
	v12 =	vand.u32 $0xFFFF, v4  }
0x1d9: {  	v9 =	vld [tilespmem:s0+$0xFFFFFFC0];
	v60 =	vand.u32 $0xFFFF, v5  }
0x1da: {  	v11 =	vld [tilespmem:s0+$0x20];
	v2 =	vshrl.u32 v2, $0x10  }
0x1db: {  	v3 =	vshrl.u32 v3, $0x10;
	[tilespmem:v6+s25+$0x0] =	vst.idx.add.f32.msk $0xffff, v1  }
0x1dc: {  	v62 =	vand.u32 $0xFFFF, v10;
	[tilespmem:v8+s25+$0x0] =	vst.idx.add.f32.msk $0xffff, v1  }
0x1dd: {  	v4 =	vshrl.u32 v4, $0x10;
	[tilespmem:v12+s25+$0x0] =	vst.idx.add.f32.msk $0xffff, v1  }
0x1de: {  	v63 =	vshrl.u32 v10, $0x10;
	[tilespmem:v60+s25+$0x0] =	vst.idx.add.f32.msk $0xffff, v1  }
0x1df: {  	[tilespmem:v2+s25+$0x0] =	vst.idx.add.f32.msk $0xffff, v1;
	v2 =	vand.u32 $0xFFFF, v9  }
0x1e0: {  	[tilespmem:v3+s25+$0x0] =	vst.idx.add.f32.msk $0xffff, v1;
	v3 =	vshrl.u32 v5, $0x10  }
0x1e1: {  	[tilespmem:v62+s25+$0x0] =	vst.idx.add.f32.msk $0xffff, v1;
	v5 =	vand.u32 $0xFFFF, v7  }
0x1e2: {  	v61 =	vshrl.u32 v9, $0x10;
	[tilespmem:v4+s25+$0x0] =	vst.idx.add.f32.msk $0xffff, v1  }
0x1e3: {  	v4 =	vshrl.u32 v7, $0x10;
	[tilespmem:v63+s25+$0x0] =	vst.idx.add.f32.msk $0xffff, v1  }
0x1e4: {  	[tilespmem:v2+s25+$0x0] =	vst.idx.add.f32.msk $0xffff, v1  }
0x1e5: {  	[tilespmem:v3+s25+$0x0] =	vst.idx.add.f32.msk $0xffff, v1  }
0x1e6: {  	[tilespmem:v5+s25+$0x0] =	vst.idx.add.f32.msk $0xffff, v1  }
0x1e7: {  	[tilespmem:v61+s25+$0x0] =	vst.idx.add.f32.msk $0xffff, v1  }
0x1e8: {  	s3 =	simm.s32 $0xC0;
	s0 =	simm.s32 $0x0;
	v2 =	vshrl.u32 v11, $0x10;
	v3 =	vand.u32 $0xFFFF, v11;
	[tilespmem:v4+s25+$0x0] =	vst.idx.add.f32.msk $0xffff, v1  }
.LBB2_20:
0x1e9: {  	v4 =	vld [tilespmem:s3+$0x30]  }
0x1ea: {  	s0 =	sadd.s32 $0x8, s0;
	v5 =	vld [tilespmem:s3+$0xFFFFFFD0]  }
0x1eb: {  	p0 =	slt.u32 s0, $0x78;
	v6 =	vld [tilespmem:s3+$0xFFFFFFE0]  }
0x1ec: {  	v7 =	vld [tilespmem:s3+$0xFFFFFFF0]  }
0x1ed: {  	v8 =	vld [tilespmem:s3+$0x0]  }
0x1ee: {  	v9 =	vld [tilespmem:s3+$0x10];
	v10 =	vand.u32 $0xFFFF, v4  }
0x1ef: {  	v4 =	vshrl.u32 v4, $0x10;
	v11 =	vshrl.u32 v5, $0x10;
	v5 =	vand.u32 $0xFFFF, v5;
	v12 =	vld [tilespmem:s3+$0x20]  }
0x1f0: {  	v13 =	vld [tilespmem:s3+$0xFFFFFFC0];
	v14 =	vshrl.u32 v6, $0x10;
	v6 =	vand.u32 $0xFFFF, v6  }
0x1f1: {  	v15 =	vshrl.u32 v7, $0x10;
	v7 =	vand.u32 $0xFFFF, v7;
	[tilespmem:v3+s25+$0x0] =	vst.idx.add.f32.msk $0xffff, v1  }
0x1f2: {  	v16 =	vshrl.u32 v8, $0x10;
	v8 =	vand.u32 $0xFFFF, v8;
	[tilespmem:v2+s25+$0x0] =	vst.idx.add.f32.msk $0xffff, v1  }
0x1f3: {  	v17 =	vshrl.u32 v9, $0x10;
	v9 =	vand.u32 $0xFFFF, v9;
	[tilespmem:v10+s25+$0x0] =	vst.idx.add.f32.msk $0xffff, v1  }
0x1f4: {  	v2 =	vshrl.u32 v12, $0x10;
	v3 =	vand.u32 $0xFFFF, v12;
	[tilespmem:v4+s25+$0x0] =	vst.idx.add.f32.msk $0xffff, v1  }
0x1f5: {  	v4 =	vshrl.u32 v13, $0x10;
	v10 =	vand.u32 $0xFFFF, v13;
	[tilespmem:v5+s25+$0x0] =	vst.idx.add.f32.msk $0xffff, v1  }
0x1f6: {  	[tilespmem:v11+s25+$0x0] =	vst.idx.add.f32.msk $0xffff, v1  }
0x1f7: {  	[tilespmem:v6+s25+$0x0] =	vst.idx.add.f32.msk $0xffff, v1  }
0x1f8: {  	[tilespmem:v14+s25+$0x0] =	vst.idx.add.f32.msk $0xffff, v1  }
0x1f9: {  	[tilespmem:v7+s25+$0x0] =	vst.idx.add.f32.msk $0xffff, v1  }
0x1fa: {  	[tilespmem:v10+s25+$0x0] =	vst.idx.add.f32.msk $0xffff, v1  }
0x1fb: {  	[tilespmem:v4+s25+$0x0] =	vst.idx.add.f32.msk $0xffff, v1  }
.Ltmp9:
0x1fc: {  	[tilespmem:v15+s25+$0x0] =	vst.idx.add.f32.msk $0xffff, v1;
	(pc) =	sbr.rel @p0 .LBB2_20-.Ltmp9, $4  }
0x1fd: {  	[tilespmem:v8+s25+$0x0] =	vst.idx.add.f32.msk $0xffff, v1  }
0x1fe: {  	[tilespmem:v16+s25+$0x0] =	vst.idx.add.f32.msk $0xffff, v1  }
0x1ff: {  	[tilespmem:v9+s25+$0x0] =	vst.idx.add.f32.msk $0xffff, v1  }
0x200: {  	s3 =	sadd.s32 $0x80, s3;
	[tilespmem:v17+s25+$0x0] =	vst.idx.add.f32.msk $0xffff, v1  }
0x201: {  	_ =	sdelay $0x3  }
0x202: {  	[tilespmem:v3+s25+$0x0] =	vst.idx.add.f32.msk $0xffff, v1  }
0x203: {  	[tilespmem:v2+s25+$0x0] =	vst.idx.add.f32.msk $0xffff, v1  }
0x204: {  	_ =	swait.ge [sflag:s26], $0x800  }
0x205: {  	[sflag:s26] =	ssyncset.done $0x0  }
0x206: {  	s0 =	simm.s32 $0x840;
	[sflag:s26] =	ssyncadd.s32 $0xFFFFF800  }
0x207: {  	[tilespmem:s2], [sflag:$0x1] =	stream.linear.gather [hbm4b:s15+s2], $0x800, $0x38;
	[tilespmem:$0x10E80] =	vst v63  }
0x208: {  	v2 =	vld [tilespmem:s0+$0x30]  }
0x209: {  	v3 =	vld [tilespmem:s0+$0xFFFFFFD0]  }
0x20a: {  	v4 =	vld [tilespmem:s0+$0xFFFFFFE0]  }
0x20b: {  	v5 =	vld [tilespmem:s0+$0xFFFFFFF0];
	_ =	sdelay $0x1  }
0x20c: {  	v6 =	vand.u32 $0xFFFF, v2  }
0x20d: {  	v10 =	vld [tilespmem:s0+$0x10];
	v8 =	vand.u32 $0xFFFF, v3  }
0x20e: {  	v7 =	vld [tilespmem:s0+$0x0];
	v12 =	vand.u32 $0xFFFF, v4  }
0x20f: {  	v9 =	vld [tilespmem:s0+$0xFFFFFFC0];
	v60 =	vand.u32 $0xFFFF, v5  }
0x210: {  	v11 =	vld [tilespmem:s0+$0x20];
	v2 =	vshrl.u32 v2, $0x10  }
0x211: {  	v3 =	vshrl.u32 v3, $0x10;
	[tilespmem:v6+s25+$0x0] =	vst.idx.add.f32.msk $0xffff, v1  }
0x212: {  	v62 =	vand.u32 $0xFFFF, v10;
	[tilespmem:v8+s25+$0x0] =	vst.idx.add.f32.msk $0xffff, v1  }
0x213: {  	v4 =	vshrl.u32 v4, $0x10;
	[tilespmem:v12+s25+$0x0] =	vst.idx.add.f32.msk $0xffff, v1  }
0x214: {  	v63 =	vshrl.u32 v10, $0x10;
	[tilespmem:v60+s25+$0x0] =	vst.idx.add.f32.msk $0xffff, v1  }
0x215: {  	[tilespmem:v2+s25+$0x0] =	vst.idx.add.f32.msk $0xffff, v1;
	v2 =	vand.u32 $0xFFFF, v9  }
0x216: {  	[tilespmem:v3+s25+$0x0] =	vst.idx.add.f32.msk $0xffff, v1;
	v3 =	vshrl.u32 v5, $0x10  }
0x217: {  	[tilespmem:v62+s25+$0x0] =	vst.idx.add.f32.msk $0xffff, v1;
	v5 =	vand.u32 $0xFFFF, v7  }
0x218: {  	v61 =	vshrl.u32 v9, $0x10;
	[tilespmem:v4+s25+$0x0] =	vst.idx.add.f32.msk $0xffff, v1  }
0x219: {  	v4 =	vshrl.u32 v7, $0x10;
	[tilespmem:v63+s25+$0x0] =	vst.idx.add.f32.msk $0xffff, v1  }
0x21a: {  	[tilespmem:v2+s25+$0x0] =	vst.idx.add.f32.msk $0xffff, v1  }
0x21b: {  	[tilespmem:v3+s25+$0x0] =	vst.idx.add.f32.msk $0xffff, v1  }
0x21c: {  	[tilespmem:v5+s25+$0x0] =	vst.idx.add.f32.msk $0xffff, v1  }
0x21d: {  	[tilespmem:v61+s25+$0x0] =	vst.idx.add.f32.msk $0xffff, v1  }
0x21e: {  	s3 =	simm.s32 $0x8C0;
	s0 =	simm.s32 $0x0;
	v2 =	vshrl.u32 v11, $0x10;
	v3 =	vand.u32 $0xFFFF, v11;
	[tilespmem:v4+s25+$0x0] =	vst.idx.add.f32.msk $0xffff, v1  }
.LBB2_22:
0x21f: {  	v4 =	vld [tilespmem:s3+$0x30]  }
0x220: {  	s0 =	sadd.s32 $0x8, s0;
	v5 =	vld [tilespmem:s3+$0xFFFFFFD0]  }
0x221: {  	p0 =	slt.u32 s0, $0x78;
	v6 =	vld [tilespmem:s3+$0xFFFFFFE0]  }
0x222: {  	v7 =	vld [tilespmem:s3+$0xFFFFFFF0]  }
0x223: {  	v8 =	vld [tilespmem:s3+$0x0]  }
0x224: {  	v9 =	vld [tilespmem:s3+$0x10];
	v10 =	vand.u32 $0xFFFF, v4  }
0x225: {  	v4 =	vshrl.u32 v4, $0x10;
	v11 =	vshrl.u32 v5, $0x10;
	v5 =	vand.u32 $0xFFFF, v5;
	v12 =	vld [tilespmem:s3+$0x20]  }
0x226: {  	v13 =	vld [tilespmem:s3+$0xFFFFFFC0];
	v14 =	vshrl.u32 v6, $0x10;
	v6 =	vand.u32 $0xFFFF, v6  }
0x227: {  	v15 =	vshrl.u32 v7, $0x10;
	v7 =	vand.u32 $0xFFFF, v7;
	[tilespmem:v3+s25+$0x0] =	vst.idx.add.f32.msk $0xffff, v1  }
0x228: {  	v16 =	vshrl.u32 v8, $0x10;
	v8 =	vand.u32 $0xFFFF, v8;
	[tilespmem:v2+s25+$0x0] =	vst.idx.add.f32.msk $0xffff, v1  }
0x229: {  	v17 =	vshrl.u32 v9, $0x10;
	v9 =	vand.u32 $0xFFFF, v9;
	[tilespmem:v10+s25+$0x0] =	vst.idx.add.f32.msk $0xffff, v1  }
0x22a: {  	v2 =	vshrl.u32 v12, $0x10;
	v3 =	vand.u32 $0xFFFF, v12;
	[tilespmem:v4+s25+$0x0] =	vst.idx.add.f32.msk $0xffff, v1  }
0x22b: {  	v4 =	vshrl.u32 v13, $0x10;
	v10 =	vand.u32 $0xFFFF, v13;
	[tilespmem:v5+s25+$0x0] =	vst.idx.add.f32.msk $0xffff, v1  }
0x22c: {  	[tilespmem:v11+s25+$0x0] =	vst.idx.add.f32.msk $0xffff, v1  }
0x22d: {  	[tilespmem:v6+s25+$0x0] =	vst.idx.add.f32.msk $0xffff, v1  }
0x22e: {  	[tilespmem:v14+s25+$0x0] =	vst.idx.add.f32.msk $0xffff, v1  }
0x22f: {  	[tilespmem:v7+s25+$0x0] =	vst.idx.add.f32.msk $0xffff, v1  }
0x230: {  	[tilespmem:v10+s25+$0x0] =	vst.idx.add.f32.msk $0xffff, v1  }
0x231: {  	[tilespmem:v4+s25+$0x0] =	vst.idx.add.f32.msk $0xffff, v1  }
.Ltmp10:
0x232: {  	[tilespmem:v15+s25+$0x0] =	vst.idx.add.f32.msk $0xffff, v1;
	(pc) =	sbr.rel @p0 .LBB2_22-.Ltmp10, $4  }
0x233: {  	[tilespmem:v8+s25+$0x0] =	vst.idx.add.f32.msk $0xffff, v1  }
0x234: {  	[tilespmem:v16+s25+$0x0] =	vst.idx.add.f32.msk $0xffff, v1  }
0x235: {  	[tilespmem:v9+s25+$0x0] =	vst.idx.add.f32.msk $0xffff, v1  }
0x236: {  	s3 =	sadd.s32 $0x80, s3;
	[tilespmem:v17+s25+$0x0] =	vst.idx.add.f32.msk $0xffff, v1  }
0x237: {  	_ =	sdelay $0x3  }
0x238: {  	[tilespmem:v3+s25+$0x0] =	vst.idx.add.f32.msk $0xffff, v1  }
0x239: {  	[tilespmem:v2+s25+$0x0] =	vst.idx.add.f32.msk $0xffff, v1  }
0x23a: {  	_ =	swait.ge [sflag:s28], $0x800  }
0x23b: {  	[sflag:s28] =	ssyncset.done $0x0  }
0x23c: {  	s0 =	simm.s32 $0x1040;
	[sflag:s28] =	ssyncadd.s32 $0xFFFFF800  }
0x23d: {  	[tilespmem:s21], [sflag:$0x2] =	stream.linear.gather [hbm4b:s16+s2], $0x800, $0x38;
	[tilespmem:$0x10E80] =	vst v63  }
0x23e: {  	v2 =	vld [tilespmem:s0+$0x30]  }
0x23f: {  	v3 =	vld [tilespmem:s0+$0xFFFFFFD0]  }
0x240: {  	v4 =	vld [tilespmem:s0+$0xFFFFFFE0]  }
0x241: {  	v5 =	vld [tilespmem:s0+$0xFFFFFFF0];
	_ =	sdelay $0x1  }
0x242: {  	v6 =	vand.u32 $0xFFFF, v2  }
0x243: {  	v10 =	vld [tilespmem:s0+$0x10];
	v8 =	vand.u32 $0xFFFF, v3  }
0x244: {  	v7 =	vld [tilespmem:s0+$0x0];
	v12 =	vand.u32 $0xFFFF, v4  }
0x245: {  	v9 =	vld [tilespmem:s0+$0xFFFFFFC0];
	v60 =	vand.u32 $0xFFFF, v5  }
0x246: {  	v11 =	vld [tilespmem:s0+$0x20];
	v2 =	vshrl.u32 v2, $0x10  }
0x247: {  	v3 =	vshrl.u32 v3, $0x10;
	[tilespmem:v6+s25+$0x0] =	vst.idx.add.f32.msk $0xffff, v1  }
0x248: {  	v62 =	vand.u32 $0xFFFF, v10;
	[tilespmem:v8+s25+$0x0] =	vst.idx.add.f32.msk $0xffff, v1  }
0x249: {  	v4 =	vshrl.u32 v4, $0x10;
	[tilespmem:v12+s25+$0x0] =	vst.idx.add.f32.msk $0xffff, v1  }
0x24a: {  	v63 =	vshrl.u32 v10, $0x10;
	[tilespmem:v60+s25+$0x0] =	vst.idx.add.f32.msk $0xffff, v1  }
0x24b: {  	[tilespmem:v2+s25+$0x0] =	vst.idx.add.f32.msk $0xffff, v1;
	v2 =	vand.u32 $0xFFFF, v9  }
0x24c: {  	[tilespmem:v3+s25+$0x0] =	vst.idx.add.f32.msk $0xffff, v1;
	v3 =	vshrl.u32 v5, $0x10  }
0x24d: {  	[tilespmem:v62+s25+$0x0] =	vst.idx.add.f32.msk $0xffff, v1;
	v5 =	vand.u32 $0xFFFF, v7  }
0x24e: {  	v61 =	vshrl.u32 v9, $0x10;
	[tilespmem:v4+s25+$0x0] =	vst.idx.add.f32.msk $0xffff, v1  }
0x24f: {  	v4 =	vshrl.u32 v7, $0x10;
	[tilespmem:v63+s25+$0x0] =	vst.idx.add.f32.msk $0xffff, v1  }
0x250: {  	[tilespmem:v2+s25+$0x0] =	vst.idx.add.f32.msk $0xffff, v1  }
0x251: {  	[tilespmem:v3+s25+$0x0] =	vst.idx.add.f32.msk $0xffff, v1  }
0x252: {  	[tilespmem:v5+s25+$0x0] =	vst.idx.add.f32.msk $0xffff, v1  }
0x253: {  	[tilespmem:v61+s25+$0x0] =	vst.idx.add.f32.msk $0xffff, v1  }
0x254: {  	s3 =	simm.s32 $0x10C0;
	s0 =	simm.s32 $0x0;
	v2 =	vshrl.u32 v11, $0x10;
	v3 =	vand.u32 $0xFFFF, v11;
	[tilespmem:v4+s25+$0x0] =	vst.idx.add.f32.msk $0xffff, v1  }
.LBB2_24:
0x255: {  	v4 =	vld [tilespmem:s3+$0x30]  }
0x256: {  	s0 =	sadd.s32 $0x8, s0;
	v5 =	vld [tilespmem:s3+$0xFFFFFFD0]  }
0x257: {  	p0 =	slt.u32 s0, $0x78;
	v6 =	vld [tilespmem:s3+$0xFFFFFFE0]  }
0x258: {  	v7 =	vld [tilespmem:s3+$0xFFFFFFF0]  }
0x259: {  	v8 =	vld [tilespmem:s3+$0x0]  }
0x25a: {  	v9 =	vld [tilespmem:s3+$0x10];
	v10 =	vand.u32 $0xFFFF, v4  }
0x25b: {  	v4 =	vshrl.u32 v4, $0x10;
	v11 =	vshrl.u32 v5, $0x10;
	v5 =	vand.u32 $0xFFFF, v5;
	v12 =	vld [tilespmem:s3+$0x20]  }
0x25c: {  	v13 =	vld [tilespmem:s3+$0xFFFFFFC0];
	v14 =	vshrl.u32 v6, $0x10;
	v6 =	vand.u32 $0xFFFF, v6  }
0x25d: {  	v15 =	vshrl.u32 v7, $0x10;
	v7 =	vand.u32 $0xFFFF, v7;
	[tilespmem:v3+s25+$0x0] =	vst.idx.add.f32.msk $0xffff, v1  }
0x25e: {  	v16 =	vshrl.u32 v8, $0x10;
	v8 =	vand.u32 $0xFFFF, v8;
	[tilespmem:v2+s25+$0x0] =	vst.idx.add.f32.msk $0xffff, v1  }
0x25f: {  	v17 =	vshrl.u32 v9, $0x10;
	v9 =	vand.u32 $0xFFFF, v9;
	[tilespmem:v10+s25+$0x0] =	vst.idx.add.f32.msk $0xffff, v1  }
0x260: {  	v2 =	vshrl.u32 v12, $0x10;
	v3 =	vand.u32 $0xFFFF, v12;
	[tilespmem:v4+s25+$0x0] =	vst.idx.add.f32.msk $0xffff, v1  }
0x261: {  	v4 =	vshrl.u32 v13, $0x10;
	v10 =	vand.u32 $0xFFFF, v13;
	[tilespmem:v5+s25+$0x0] =	vst.idx.add.f32.msk $0xffff, v1  }
0x262: {  	[tilespmem:v11+s25+$0x0] =	vst.idx.add.f32.msk $0xffff, v1  }
0x263: {  	[tilespmem:v6+s25+$0x0] =	vst.idx.add.f32.msk $0xffff, v1  }
0x264: {  	[tilespmem:v14+s25+$0x0] =	vst.idx.add.f32.msk $0xffff, v1  }
0x265: {  	[tilespmem:v7+s25+$0x0] =	vst.idx.add.f32.msk $0xffff, v1  }
0x266: {  	[tilespmem:v10+s25+$0x0] =	vst.idx.add.f32.msk $0xffff, v1  }
0x267: {  	[tilespmem:v4+s25+$0x0] =	vst.idx.add.f32.msk $0xffff, v1  }
.Ltmp11:
0x268: {  	[tilespmem:v15+s25+$0x0] =	vst.idx.add.f32.msk $0xffff, v1;
	(pc) =	sbr.rel @p0 .LBB2_24-.Ltmp11, $4  }
0x269: {  	[tilespmem:v8+s25+$0x0] =	vst.idx.add.f32.msk $0xffff, v1  }
0x26a: {  	[tilespmem:v16+s25+$0x0] =	vst.idx.add.f32.msk $0xffff, v1  }
0x26b: {  	[tilespmem:v9+s25+$0x0] =	vst.idx.add.f32.msk $0xffff, v1  }
0x26c: {  	s3 =	sadd.s32 $0x80, s3;
	[tilespmem:v17+s25+$0x0] =	vst.idx.add.f32.msk $0xffff, v1  }
0x26d: {  	_ =	sdelay $0x3  }
0x26e: {  	[tilespmem:v3+s25+$0x0] =	vst.idx.add.f32.msk $0xffff, v1  }
0x26f: {  	[tilespmem:v2+s25+$0x0] =	vst.idx.add.f32.msk $0xffff, v1  }
0x270: {  	_ =	swait.ge [sflag:s29], $0x800  }
0x271: {  	[sflag:s29] =	ssyncset.done $0x0  }
0x272: {  	s0 =	simm.s32 $0x1840;
	[sflag:s29] =	ssyncadd.s32 $0xFFFFF800  }
0x273: {  	[tilespmem:s22], [sflag:$0x3] =	stream.linear.gather [hbm4b:s17+s2], $0x800, $0x38;
	[tilespmem:$0x10E80] =	vst v63  }
0x274: {  	v2 =	vld [tilespmem:s0+$0x30]  }
0x275: {  	v3 =	vld [tilespmem:s0+$0xFFFFFFD0]  }
0x276: {  	v4 =	vld [tilespmem:s0+$0xFFFFFFE0]  }
0x277: {  	v5 =	vld [tilespmem:s0+$0xFFFFFFF0];
	_ =	sdelay $0x1  }
0x278: {  	v6 =	vand.u32 $0xFFFF, v2  }
0x279: {  	v10 =	vld [tilespmem:s0+$0x10];
	v8 =	vand.u32 $0xFFFF, v3  }
0x27a: {  	v7 =	vld [tilespmem:s0+$0x0];
	v12 =	vand.u32 $0xFFFF, v4  }
0x27b: {  	v9 =	vld [tilespmem:s0+$0xFFFFFFC0];
	v60 =	vand.u32 $0xFFFF, v5  }
0x27c: {  	v11 =	vld [tilespmem:s0+$0x20];
	v2 =	vshrl.u32 v2, $0x10  }
0x27d: {  	v3 =	vshrl.u32 v3, $0x10;
	[tilespmem:v6+s25+$0x0] =	vst.idx.add.f32.msk $0xffff, v1  }
0x27e: {  	v62 =	vand.u32 $0xFFFF, v10;
	[tilespmem:v8+s25+$0x0] =	vst.idx.add.f32.msk $0xffff, v1  }
0x27f: {  	v4 =	vshrl.u32 v4, $0x10;
	[tilespmem:v12+s25+$0x0] =	vst.idx.add.f32.msk $0xffff, v1  }
0x280: {  	v63 =	vshrl.u32 v10, $0x10;
	[tilespmem:v60+s25+$0x0] =	vst.idx.add.f32.msk $0xffff, v1  }
0x281: {  	[tilespmem:v2+s25+$0x0] =	vst.idx.add.f32.msk $0xffff, v1;
	v2 =	vand.u32 $0xFFFF, v9  }
0x282: {  	[tilespmem:v3+s25+$0x0] =	vst.idx.add.f32.msk $0xffff, v1;
	v3 =	vshrl.u32 v5, $0x10  }
0x283: {  	[tilespmem:v62+s25+$0x0] =	vst.idx.add.f32.msk $0xffff, v1;
	v5 =	vand.u32 $0xFFFF, v7  }
0x284: {  	v61 =	vshrl.u32 v9, $0x10;
	[tilespmem:v4+s25+$0x0] =	vst.idx.add.f32.msk $0xffff, v1  }
0x285: {  	v4 =	vshrl.u32 v7, $0x10;
	[tilespmem:v63+s25+$0x0] =	vst.idx.add.f32.msk $0xffff, v1  }
0x286: {  	[tilespmem:v2+s25+$0x0] =	vst.idx.add.f32.msk $0xffff, v1  }
0x287: {  	[tilespmem:v3+s25+$0x0] =	vst.idx.add.f32.msk $0xffff, v1  }
0x288: {  	[tilespmem:v5+s25+$0x0] =	vst.idx.add.f32.msk $0xffff, v1  }
0x289: {  	[tilespmem:v61+s25+$0x0] =	vst.idx.add.f32.msk $0xffff, v1  }
0x28a: {  	s3 =	simm.s32 $0x18C0;
	s0 =	simm.s32 $0x0;
	v2 =	vshrl.u32 v11, $0x10;
	v3 =	vand.u32 $0xFFFF, v11;
	[tilespmem:v4+s25+$0x0] =	vst.idx.add.f32.msk $0xffff, v1  }
.LBB2_26:
0x28b: {  	v4 =	vld [tilespmem:s3+$0x30]  }
0x28c: {  	s0 =	sadd.s32 $0x8, s0;
	v5 =	vld [tilespmem:s3+$0xFFFFFFD0]  }
0x28d: {  	p0 =	slt.u32 s0, $0x78;
	v6 =	vld [tilespmem:s3+$0xFFFFFFE0]  }
0x28e: {  	v7 =	vld [tilespmem:s3+$0xFFFFFFF0]  }
0x28f: {  	v8 =	vld [tilespmem:s3+$0x0]  }
0x290: {  	v9 =	vld [tilespmem:s3+$0x10];
	v10 =	vand.u32 $0xFFFF, v4  }
0x291: {  	v4 =	vshrl.u32 v4, $0x10;
	v11 =	vshrl.u32 v5, $0x10;
	v5 =	vand.u32 $0xFFFF, v5;
	v12 =	vld [tilespmem:s3+$0x20]  }
0x292: {  	v13 =	vld [tilespmem:s3+$0xFFFFFFC0];
	v14 =	vshrl.u32 v6, $0x10;
	v6 =	vand.u32 $0xFFFF, v6  }
0x293: {  	v15 =	vshrl.u32 v7, $0x10;
	v7 =	vand.u32 $0xFFFF, v7;
	[tilespmem:v3+s25+$0x0] =	vst.idx.add.f32.msk $0xffff, v1  }
0x294: {  	v16 =	vshrl.u32 v8, $0x10;
	v8 =	vand.u32 $0xFFFF, v8;
	[tilespmem:v2+s25+$0x0] =	vst.idx.add.f32.msk $0xffff, v1  }
0x295: {  	v17 =	vshrl.u32 v9, $0x10;
	v9 =	vand.u32 $0xFFFF, v9;
	[tilespmem:v10+s25+$0x0] =	vst.idx.add.f32.msk $0xffff, v1  }
0x296: {  	v2 =	vshrl.u32 v12, $0x10;
	v3 =	vand.u32 $0xFFFF, v12;
	[tilespmem:v4+s25+$0x0] =	vst.idx.add.f32.msk $0xffff, v1  }
0x297: {  	v4 =	vshrl.u32 v13, $0x10;
	v10 =	vand.u32 $0xFFFF, v13;
	[tilespmem:v5+s25+$0x0] =	vst.idx.add.f32.msk $0xffff, v1  }
0x298: {  	[tilespmem:v11+s25+$0x0] =	vst.idx.add.f32.msk $0xffff, v1  }
0x299: {  	[tilespmem:v6+s25+$0x0] =	vst.idx.add.f32.msk $0xffff, v1  }
0x29a: {  	[tilespmem:v14+s25+$0x0] =	vst.idx.add.f32.msk $0xffff, v1  }
0x29b: {  	[tilespmem:v7+s25+$0x0] =	vst.idx.add.f32.msk $0xffff, v1  }
0x29c: {  	[tilespmem:v10+s25+$0x0] =	vst.idx.add.f32.msk $0xffff, v1  }
0x29d: {  	[tilespmem:v4+s25+$0x0] =	vst.idx.add.f32.msk $0xffff, v1  }
.Ltmp12:
0x29e: {  	[tilespmem:v15+s25+$0x0] =	vst.idx.add.f32.msk $0xffff, v1;
	(pc) =	sbr.rel @p0 .LBB2_26-.Ltmp12, $4  }
0x29f: {  	[tilespmem:v8+s25+$0x0] =	vst.idx.add.f32.msk $0xffff, v1  }
0x2a0: {  	[tilespmem:v16+s25+$0x0] =	vst.idx.add.f32.msk $0xffff, v1  }
0x2a1: {  	[tilespmem:v9+s25+$0x0] =	vst.idx.add.f32.msk $0xffff, v1  }
0x2a2: {  	s3 =	sadd.s32 $0x80, s3;
	[tilespmem:v17+s25+$0x0] =	vst.idx.add.f32.msk $0xffff, v1  }
0x2a3: {  	_ =	sdelay $0x3  }
0x2a4: {  	[tilespmem:v3+s25+$0x0] =	vst.idx.add.f32.msk $0xffff, v1  }
0x2a5: {  	[tilespmem:v2+s25+$0x0] =	vst.idx.add.f32.msk $0xffff, v1  }
0x2a6: {  	_ =	swait.ge [sflag:s23], $0x800  }
0x2a7: {  	[sflag:s23] =	ssyncset.done $0x0  }
0x2a8: {  	s0 =	simm.s32 $0x40;
	[sflag:s23] =	ssyncadd.s32 $0xFFFFF800  }
0x2a9: {  	[tilespmem:s24], [sflag:$0x4] =	stream.linear.gather [hbm4b:s18+s2], $0x800, $0x38;
	[tilespmem:$0x10E80] =	vst v63  }
0x2aa: {  	v2 =	vld [tilespmem:s0+$0x30]  }
0x2ab: {  	v3 =	vld [tilespmem:s0+$0xFFFFFFD0]  }
0x2ac: {  	v4 =	vld [tilespmem:s0+$0xFFFFFFE0]  }
0x2ad: {  	v5 =	vld [tilespmem:s0+$0xFFFFFFF0];
	_ =	sdelay $0x1  }
0x2ae: {  	v6 =	vand.u32 $0xFFFF, v2  }
0x2af: {  	v10 =	vld [tilespmem:s0+$0x10];
	v8 =	vand.u32 $0xFFFF, v3  }
0x2b0: {  	v7 =	vld [tilespmem:s0+$0x0];
	v12 =	vand.u32 $0xFFFF, v4  }
0x2b1: {  	v9 =	vld [tilespmem:s0+$0xFFFFFFC0];
	v60 =	vand.u32 $0xFFFF, v5  }
0x2b2: {  	v11 =	vld [tilespmem:s0+$0x20];
	v2 =	vshrl.u32 v2, $0x10  }
0x2b3: {  	v3 =	vshrl.u32 v3, $0x10;
	[tilespmem:v6+s25+$0x0] =	vst.idx.add.f32.msk $0xffff, v1  }
0x2b4: {  	v62 =	vand.u32 $0xFFFF, v10;
	[tilespmem:v8+s25+$0x0] =	vst.idx.add.f32.msk $0xffff, v1  }
0x2b5: {  	v4 =	vshrl.u32 v4, $0x10;
	[tilespmem:v12+s25+$0x0] =	vst.idx.add.f32.msk $0xffff, v1  }
0x2b6: {  	v63 =	vshrl.u32 v10, $0x10;
	[tilespmem:v60+s25+$0x0] =	vst.idx.add.f32.msk $0xffff, v1  }
0x2b7: {  	[tilespmem:v2+s25+$0x0] =	vst.idx.add.f32.msk $0xffff, v1;
	v2 =	vand.u32 $0xFFFF, v9  }
0x2b8: {  	[tilespmem:v3+s25+$0x0] =	vst.idx.add.f32.msk $0xffff, v1;
	v3 =	vshrl.u32 v5, $0x10  }
0x2b9: {  	[tilespmem:v62+s25+$0x0] =	vst.idx.add.f32.msk $0xffff, v1;
	v5 =	vand.u32 $0xFFFF, v7  }
0x2ba: {  	v61 =	vshrl.u32 v9, $0x10;
	[tilespmem:v4+s25+$0x0] =	vst.idx.add.f32.msk $0xffff, v1  }
0x2bb: {  	v4 =	vshrl.u32 v7, $0x10;
	[tilespmem:v63+s25+$0x0] =	vst.idx.add.f32.msk $0xffff, v1  }
0x2bc: {  	[tilespmem:v2+s25+$0x0] =	vst.idx.add.f32.msk $0xffff, v1  }
0x2bd: {  	[tilespmem:v3+s25+$0x0] =	vst.idx.add.f32.msk $0xffff, v1  }
0x2be: {  	[tilespmem:v5+s25+$0x0] =	vst.idx.add.f32.msk $0xffff, v1  }
0x2bf: {  	[tilespmem:v61+s25+$0x0] =	vst.idx.add.f32.msk $0xffff, v1  }
0x2c0: {  	s3 =	simm.s32 $0xC0;
	s0 =	simm.s32 $0x0;
	v2 =	vshrl.u32 v11, $0x10;
	v3 =	vand.u32 $0xFFFF, v11;
	[tilespmem:v4+s25+$0x0] =	vst.idx.add.f32.msk $0xffff, v1  }
.LBB2_28:
0x2c1: {  	v4 =	vld [tilespmem:s3+$0x30]  }
0x2c2: {  	s0 =	sadd.s32 $0x8, s0;
	v5 =	vld [tilespmem:s3+$0xFFFFFFD0]  }
0x2c3: {  	p0 =	slt.u32 s0, $0x78;
	v6 =	vld [tilespmem:s3+$0xFFFFFFE0]  }
0x2c4: {  	v7 =	vld [tilespmem:s3+$0xFFFFFFF0]  }
0x2c5: {  	v8 =	vld [tilespmem:s3+$0x0]  }
0x2c6: {  	v9 =	vld [tilespmem:s3+$0x10];
	v10 =	vand.u32 $0xFFFF, v4  }
0x2c7: {  	v4 =	vshrl.u32 v4, $0x10;
	v11 =	vshrl.u32 v5, $0x10;
	v5 =	vand.u32 $0xFFFF, v5;
	v12 =	vld [tilespmem:s3+$0x20]  }
0x2c8: {  	v13 =	vld [tilespmem:s3+$0xFFFFFFC0];
	v14 =	vshrl.u32 v6, $0x10;
	v6 =	vand.u32 $0xFFFF, v6  }
0x2c9: {  	v15 =	vshrl.u32 v7, $0x10;
	v7 =	vand.u32 $0xFFFF, v7;
	[tilespmem:v3+s25+$0x0] =	vst.idx.add.f32.msk $0xffff, v1  }
0x2ca: {  	v16 =	vshrl.u32 v8, $0x10;
	v8 =	vand.u32 $0xFFFF, v8;
	[tilespmem:v2+s25+$0x0] =	vst.idx.add.f32.msk $0xffff, v1  }
0x2cb: {  	v17 =	vshrl.u32 v9, $0x10;
	v9 =	vand.u32 $0xFFFF, v9;
	[tilespmem:v10+s25+$0x0] =	vst.idx.add.f32.msk $0xffff, v1  }
0x2cc: {  	v2 =	vshrl.u32 v12, $0x10;
	v3 =	vand.u32 $0xFFFF, v12;
	[tilespmem:v4+s25+$0x0] =	vst.idx.add.f32.msk $0xffff, v1  }
0x2cd: {  	v4 =	vshrl.u32 v13, $0x10;
	v10 =	vand.u32 $0xFFFF, v13;
	[tilespmem:v5+s25+$0x0] =	vst.idx.add.f32.msk $0xffff, v1  }
0x2ce: {  	[tilespmem:v11+s25+$0x0] =	vst.idx.add.f32.msk $0xffff, v1  }
0x2cf: {  	[tilespmem:v6+s25+$0x0] =	vst.idx.add.f32.msk $0xffff, v1  }
0x2d0: {  	[tilespmem:v14+s25+$0x0] =	vst.idx.add.f32.msk $0xffff, v1  }
0x2d1: {  	[tilespmem:v7+s25+$0x0] =	vst.idx.add.f32.msk $0xffff, v1  }
0x2d2: {  	[tilespmem:v10+s25+$0x0] =	vst.idx.add.f32.msk $0xffff, v1  }
0x2d3: {  	[tilespmem:v4+s25+$0x0] =	vst.idx.add.f32.msk $0xffff, v1  }
.Ltmp13:
0x2d4: {  	[tilespmem:v15+s25+$0x0] =	vst.idx.add.f32.msk $0xffff, v1;
	(pc) =	sbr.rel @p0 .LBB2_28-.Ltmp13, $4  }
0x2d5: {  	[tilespmem:v8+s25+$0x0] =	vst.idx.add.f32.msk $0xffff, v1  }
0x2d6: {  	[tilespmem:v16+s25+$0x0] =	vst.idx.add.f32.msk $0xffff, v1  }
0x2d7: {  	[tilespmem:v9+s25+$0x0] =	vst.idx.add.f32.msk $0xffff, v1  }
0x2d8: {  	s3 =	sadd.s32 $0x80, s3;
	[tilespmem:v17+s25+$0x0] =	vst.idx.add.f32.msk $0xffff, v1  }
0x2d9: {  	_ =	sdelay $0x3  }
0x2da: {  	[tilespmem:v3+s25+$0x0] =	vst.idx.add.f32.msk $0xffff, v1  }
0x2db: {  	[tilespmem:v2+s25+$0x0] =	vst.idx.add.f32.msk $0xffff, v1  }
0x2dc: {  	_ =	swait.ge [sflag:s26], $0x800  }
0x2dd: {  	[sflag:s26] =	ssyncset.done $0x0  }
0x2de: {  	s0 =	simm.s32 $0x840;
	[sflag:s26] =	ssyncadd.s32 $0xFFFFF800  }
0x2df: {  	v2 =	vld [tilespmem:s0+$0x30]  }
0x2e0: {  	v3 =	vld [tilespmem:s0+$0xFFFFFFD0]  }
0x2e1: {  	v4 =	vld [tilespmem:s0+$0xFFFFFFE0]  }
0x2e2: {  	v5 =	vld [tilespmem:s0+$0xFFFFFFF0];
	_ =	sdelay $0x1  }
0x2e3: {  	v6 =	vand.u32 $0xFFFF, v2  }
0x2e4: {  	v10 =	vld [tilespmem:s0+$0x10];
	v8 =	vand.u32 $0xFFFF, v3  }
0x2e5: {  	v7 =	vld [tilespmem:s0+$0x0];
	v12 =	vand.u32 $0xFFFF, v4  }
0x2e6: {  	v9 =	vld [tilespmem:s0+$0xFFFFFFC0];
	v60 =	vand.u32 $0xFFFF, v5  }
0x2e7: {  	v11 =	vld [tilespmem:s0+$0x20];
	v2 =	vshrl.u32 v2, $0x10  }
0x2e8: {  	v3 =	vshrl.u32 v3, $0x10;
	[tilespmem:v6+s25+$0x0] =	vst.idx.add.f32.msk $0xffff, v1  }
0x2e9: {  	v62 =	vand.u32 $0xFFFF, v10;
	[tilespmem:v8+s25+$0x0] =	vst.idx.add.f32.msk $0xffff, v1  }
0x2ea: {  	v4 =	vshrl.u32 v4, $0x10;
	[tilespmem:v12+s25+$0x0] =	vst.idx.add.f32.msk $0xffff, v1  }
0x2eb: {  	v63 =	vshrl.u32 v10, $0x10;
	[tilespmem:v60+s25+$0x0] =	vst.idx.add.f32.msk $0xffff, v1  }
0x2ec: {  	[tilespmem:v2+s25+$0x0] =	vst.idx.add.f32.msk $0xffff, v1;
	v2 =	vand.u32 $0xFFFF, v9  }
0x2ed: {  	[tilespmem:v3+s25+$0x0] =	vst.idx.add.f32.msk $0xffff, v1;
	v3 =	vshrl.u32 v5, $0x10  }
0x2ee: {  	[tilespmem:v62+s25+$0x0] =	vst.idx.add.f32.msk $0xffff, v1;
	v5 =	vand.u32 $0xFFFF, v7  }
0x2ef: {  	v61 =	vshrl.u32 v9, $0x10;
	[tilespmem:v4+s25+$0x0] =	vst.idx.add.f32.msk $0xffff, v1  }
0x2f0: {  	v4 =	vshrl.u32 v7, $0x10;
	[tilespmem:v63+s25+$0x0] =	vst.idx.add.f32.msk $0xffff, v1  }
0x2f1: {  	[tilespmem:v2+s25+$0x0] =	vst.idx.add.f32.msk $0xffff, v1  }
0x2f2: {  	[tilespmem:v3+s25+$0x0] =	vst.idx.add.f32.msk $0xffff, v1  }
0x2f3: {  	[tilespmem:v5+s25+$0x0] =	vst.idx.add.f32.msk $0xffff, v1  }
0x2f4: {  	[tilespmem:v61+s25+$0x0] =	vst.idx.add.f32.msk $0xffff, v1  }
0x2f5: {  	s3 =	simm.s32 $0x8C0;
	s0 =	simm.s32 $0x0;
	v2 =	vshrl.u32 v11, $0x10;
	v3 =	vand.u32 $0xFFFF, v11;
	[tilespmem:v4+s25+$0x0] =	vst.idx.add.f32.msk $0xffff, v1  }
.LBB2_30:
0x2f6: {  	v4 =	vld [tilespmem:s3+$0x30]  }
0x2f7: {  	s0 =	sadd.s32 $0x8, s0;
	v5 =	vld [tilespmem:s3+$0xFFFFFFD0]  }
0x2f8: {  	p0 =	slt.u32 s0, $0x78;
	v6 =	vld [tilespmem:s3+$0xFFFFFFE0]  }
0x2f9: {  	v7 =	vld [tilespmem:s3+$0xFFFFFFF0]  }
0x2fa: {  	v8 =	vld [tilespmem:s3+$0x0]  }
0x2fb: {  	v9 =	vld [tilespmem:s3+$0x10];
	v10 =	vand.u32 $0xFFFF, v4  }
0x2fc: {  	v4 =	vshrl.u32 v4, $0x10;
	v11 =	vshrl.u32 v5, $0x10;
	v5 =	vand.u32 $0xFFFF, v5;
	v12 =	vld [tilespmem:s3+$0x20]  }
0x2fd: {  	v13 =	vld [tilespmem:s3+$0xFFFFFFC0];
	v14 =	vshrl.u32 v6, $0x10;
	v6 =	vand.u32 $0xFFFF, v6  }
0x2fe: {  	v15 =	vshrl.u32 v7, $0x10;
	v7 =	vand.u32 $0xFFFF, v7;
	[tilespmem:v3+s25+$0x0] =	vst.idx.add.f32.msk $0xffff, v1  }
0x2ff: {  	v16 =	vshrl.u32 v8, $0x10;
	v8 =	vand.u32 $0xFFFF, v8;
	[tilespmem:v2+s25+$0x0] =	vst.idx.add.f32.msk $0xffff, v1  }
0x300: {  	v17 =	vshrl.u32 v9, $0x10;
	v9 =	vand.u32 $0xFFFF, v9;
	[tilespmem:v10+s25+$0x0] =	vst.idx.add.f32.msk $0xffff, v1  }
0x301: {  	v2 =	vshrl.u32 v12, $0x10;
	v3 =	vand.u32 $0xFFFF, v12;
	[tilespmem:v4+s25+$0x0] =	vst.idx.add.f32.msk $0xffff, v1  }
0x302: {  	v4 =	vshrl.u32 v13, $0x10;
	v10 =	vand.u32 $0xFFFF, v13;
	[tilespmem:v5+s25+$0x0] =	vst.idx.add.f32.msk $0xffff, v1  }
0x303: {  	[tilespmem:v11+s25+$0x0] =	vst.idx.add.f32.msk $0xffff, v1  }
0x304: {  	[tilespmem:v6+s25+$0x0] =	vst.idx.add.f32.msk $0xffff, v1  }
0x305: {  	[tilespmem:v14+s25+$0x0] =	vst.idx.add.f32.msk $0xffff, v1  }
0x306: {  	[tilespmem:v7+s25+$0x0] =	vst.idx.add.f32.msk $0xffff, v1  }
0x307: {  	[tilespmem:v10+s25+$0x0] =	vst.idx.add.f32.msk $0xffff, v1  }
0x308: {  	[tilespmem:v4+s25+$0x0] =	vst.idx.add.f32.msk $0xffff, v1  }
.Ltmp14:
0x309: {  	[tilespmem:v15+s25+$0x0] =	vst.idx.add.f32.msk $0xffff, v1;
	(pc) =	sbr.rel @p0 .LBB2_30-.Ltmp14, $4  }
0x30a: {  	[tilespmem:v8+s25+$0x0] =	vst.idx.add.f32.msk $0xffff, v1  }
0x30b: {  	[tilespmem:v16+s25+$0x0] =	vst.idx.add.f32.msk $0xffff, v1  }
0x30c: {  	[tilespmem:v9+s25+$0x0] =	vst.idx.add.f32.msk $0xffff, v1  }
0x30d: {  	s3 =	sadd.s32 $0x80, s3;
	[tilespmem:v17+s25+$0x0] =	vst.idx.add.f32.msk $0xffff, v1  }
0x30e: {  	_ =	sdelay $0x3  }
0x30f: {  	[tilespmem:v3+s25+$0x0] =	vst.idx.add.f32.msk $0xffff, v1  }
0x310: {  	[tilespmem:v2+s25+$0x0] =	vst.idx.add.f32.msk $0xffff, v1  }
0x311: {  	_ =	swait.ge [sflag:s28], $0x800  }
0x312: {  	[sflag:s28] =	ssyncset.done $0x0  }
0x313: {  	s0 =	simm.s32 $0x1040;
	[sflag:s28] =	ssyncadd.s32 $0xFFFFF800  }
0x314: {  	v2 =	vld [tilespmem:s0+$0x30]  }
0x315: {  	v3 =	vld [tilespmem:s0+$0xFFFFFFD0]  }
0x316: {  	v4 =	vld [tilespmem:s0+$0xFFFFFFE0]  }
0x317: {  	v5 =	vld [tilespmem:s0+$0xFFFFFFF0];
	_ =	sdelay $0x1  }
0x318: {  	v6 =	vand.u32 $0xFFFF, v2  }
0x319: {  	v10 =	vld [tilespmem:s0+$0x10];
	v8 =	vand.u32 $0xFFFF, v3  }
0x31a: {  	v7 =	vld [tilespmem:s0+$0x0];
	v12 =	vand.u32 $0xFFFF, v4  }
0x31b: {  	v9 =	vld [tilespmem:s0+$0xFFFFFFC0];
	v60 =	vand.u32 $0xFFFF, v5  }
0x31c: {  	v11 =	vld [tilespmem:s0+$0x20];
	v2 =	vshrl.u32 v2, $0x10  }
0x31d: {  	v3 =	vshrl.u32 v3, $0x10;
	[tilespmem:v6+s25+$0x0] =	vst.idx.add.f32.msk $0xffff, v1  }
0x31e: {  	v62 =	vand.u32 $0xFFFF, v10;
	[tilespmem:v8+s25+$0x0] =	vst.idx.add.f32.msk $0xffff, v1  }
0x31f: {  	v4 =	vshrl.u32 v4, $0x10;
	[tilespmem:v12+s25+$0x0] =	vst.idx.add.f32.msk $0xffff, v1  }
0x320: {  	v63 =	vshrl.u32 v10, $0x10;
	[tilespmem:v60+s25+$0x0] =	vst.idx.add.f32.msk $0xffff, v1  }
0x321: {  	[tilespmem:v2+s25+$0x0] =	vst.idx.add.f32.msk $0xffff, v1;
	v2 =	vand.u32 $0xFFFF, v9  }
0x322: {  	[tilespmem:v3+s25+$0x0] =	vst.idx.add.f32.msk $0xffff, v1;
	v3 =	vshrl.u32 v5, $0x10  }
0x323: {  	[tilespmem:v62+s25+$0x0] =	vst.idx.add.f32.msk $0xffff, v1;
	v5 =	vand.u32 $0xFFFF, v7  }
0x324: {  	v61 =	vshrl.u32 v9, $0x10;
	[tilespmem:v4+s25+$0x0] =	vst.idx.add.f32.msk $0xffff, v1  }
0x325: {  	v4 =	vshrl.u32 v7, $0x10;
	[tilespmem:v63+s25+$0x0] =	vst.idx.add.f32.msk $0xffff, v1  }
0x326: {  	[tilespmem:v2+s25+$0x0] =	vst.idx.add.f32.msk $0xffff, v1  }
0x327: {  	[tilespmem:v3+s25+$0x0] =	vst.idx.add.f32.msk $0xffff, v1  }
0x328: {  	[tilespmem:v5+s25+$0x0] =	vst.idx.add.f32.msk $0xffff, v1  }
0x329: {  	[tilespmem:v61+s25+$0x0] =	vst.idx.add.f32.msk $0xffff, v1  }
0x32a: {  	s3 =	simm.s32 $0x10C0;
	s0 =	simm.s32 $0x0;
	v2 =	vshrl.u32 v11, $0x10;
	v3 =	vand.u32 $0xFFFF, v11;
	[tilespmem:v4+s25+$0x0] =	vst.idx.add.f32.msk $0xffff, v1  }
.LBB2_32:
0x32b: {  	v4 =	vld [tilespmem:s3+$0x30]  }
0x32c: {  	s0 =	sadd.s32 $0x8, s0;
	v5 =	vld [tilespmem:s3+$0xFFFFFFD0]  }
0x32d: {  	p0 =	slt.u32 s0, $0x78;
	v6 =	vld [tilespmem:s3+$0xFFFFFFE0]  }
0x32e: {  	v7 =	vld [tilespmem:s3+$0xFFFFFFF0]  }
0x32f: {  	v8 =	vld [tilespmem:s3+$0x0]  }
0x330: {  	v9 =	vld [tilespmem:s3+$0x10];
	v10 =	vand.u32 $0xFFFF, v4  }
0x331: {  	v4 =	vshrl.u32 v4, $0x10;
	v11 =	vshrl.u32 v5, $0x10;
	v5 =	vand.u32 $0xFFFF, v5;
	v12 =	vld [tilespmem:s3+$0x20]  }
0x332: {  	v13 =	vld [tilespmem:s3+$0xFFFFFFC0];
	v14 =	vshrl.u32 v6, $0x10;
	v6 =	vand.u32 $0xFFFF, v6  }
0x333: {  	v15 =	vshrl.u32 v7, $0x10;
	v7 =	vand.u32 $0xFFFF, v7;
	[tilespmem:v3+s25+$0x0] =	vst.idx.add.f32.msk $0xffff, v1  }
0x334: {  	v16 =	vshrl.u32 v8, $0x10;
	v8 =	vand.u32 $0xFFFF, v8;
	[tilespmem:v2+s25+$0x0] =	vst.idx.add.f32.msk $0xffff, v1  }
0x335: {  	v17 =	vshrl.u32 v9, $0x10;
	v9 =	vand.u32 $0xFFFF, v9;
	[tilespmem:v10+s25+$0x0] =	vst.idx.add.f32.msk $0xffff, v1  }
0x336: {  	v2 =	vshrl.u32 v12, $0x10;
	v3 =	vand.u32 $0xFFFF, v12;
	[tilespmem:v4+s25+$0x0] =	vst.idx.add.f32.msk $0xffff, v1  }
0x337: {  	v4 =	vshrl.u32 v13, $0x10;
	v10 =	vand.u32 $0xFFFF, v13;
	[tilespmem:v5+s25+$0x0] =	vst.idx.add.f32.msk $0xffff, v1  }
0x338: {  	[tilespmem:v11+s25+$0x0] =	vst.idx.add.f32.msk $0xffff, v1  }
0x339: {  	[tilespmem:v6+s25+$0x0] =	vst.idx.add.f32.msk $0xffff, v1  }
0x33a: {  	[tilespmem:v14+s25+$0x0] =	vst.idx.add.f32.msk $0xffff, v1  }
0x33b: {  	[tilespmem:v7+s25+$0x0] =	vst.idx.add.f32.msk $0xffff, v1  }
0x33c: {  	[tilespmem:v10+s25+$0x0] =	vst.idx.add.f32.msk $0xffff, v1  }
0x33d: {  	[tilespmem:v4+s25+$0x0] =	vst.idx.add.f32.msk $0xffff, v1  }
.Ltmp15:
0x33e: {  	[tilespmem:v15+s25+$0x0] =	vst.idx.add.f32.msk $0xffff, v1;
	(pc) =	sbr.rel @p0 .LBB2_32-.Ltmp15, $4  }
0x33f: {  	[tilespmem:v8+s25+$0x0] =	vst.idx.add.f32.msk $0xffff, v1  }
0x340: {  	[tilespmem:v16+s25+$0x0] =	vst.idx.add.f32.msk $0xffff, v1  }
0x341: {  	[tilespmem:v9+s25+$0x0] =	vst.idx.add.f32.msk $0xffff, v1  }
0x342: {  	s3 =	sadd.s32 $0x80, s3;
	[tilespmem:v17+s25+$0x0] =	vst.idx.add.f32.msk $0xffff, v1  }
0x343: {  	_ =	sdelay $0x3  }
0x344: {  	[tilespmem:v3+s25+$0x0] =	vst.idx.add.f32.msk $0xffff, v1  }
0x345: {  	[tilespmem:v2+s25+$0x0] =	vst.idx.add.f32.msk $0xffff, v1  }
0x346: {  	_ =	swait.ge [sflag:s29], $0x800  }
0x347: {  	[sflag:s29] =	ssyncset.done $0x0  }
0x348: {  	s0 =	simm.s32 $0x1840;
	[sflag:s29] =	ssyncadd.s32 $0xFFFFF800  }
0x349: {  	v2 =	vld [tilespmem:s0+$0x30]  }
0x34a: {  	v3 =	vld [tilespmem:s0+$0xFFFFFFD0]  }
0x34b: {  	v4 =	vld [tilespmem:s0+$0xFFFFFFE0]  }
0x34c: {  	v5 =	vld [tilespmem:s0+$0xFFFFFFF0];
	_ =	sdelay $0x1  }
0x34d: {  	v6 =	vand.u32 $0xFFFF, v2  }
0x34e: {  	v10 =	vld [tilespmem:s0+$0x10];
	v8 =	vand.u32 $0xFFFF, v3  }
0x34f: {  	v7 =	vld [tilespmem:s0+$0x0];
	v12 =	vand.u32 $0xFFFF, v4  }
0x350: {  	v9 =	vld [tilespmem:s0+$0xFFFFFFC0];
	v60 =	vand.u32 $0xFFFF, v5  }
0x351: {  	v11 =	vld [tilespmem:s0+$0x20];
	v2 =	vshrl.u32 v2, $0x10  }
0x352: {  	v3 =	vshrl.u32 v3, $0x10;
	[tilespmem:v6+s25+$0x0] =	vst.idx.add.f32.msk $0xffff, v1  }
0x353: {  	v62 =	vand.u32 $0xFFFF, v10;
	[tilespmem:v8+s25+$0x0] =	vst.idx.add.f32.msk $0xffff, v1  }
0x354: {  	v4 =	vshrl.u32 v4, $0x10;
	[tilespmem:v12+s25+$0x0] =	vst.idx.add.f32.msk $0xffff, v1  }
0x355: {  	v63 =	vshrl.u32 v10, $0x10;
	[tilespmem:v60+s25+$0x0] =	vst.idx.add.f32.msk $0xffff, v1  }
0x356: {  	[tilespmem:v2+s25+$0x0] =	vst.idx.add.f32.msk $0xffff, v1;
	v2 =	vand.u32 $0xFFFF, v9  }
0x357: {  	[tilespmem:v3+s25+$0x0] =	vst.idx.add.f32.msk $0xffff, v1;
	v3 =	vshrl.u32 v5, $0x10  }
0x358: {  	[tilespmem:v62+s25+$0x0] =	vst.idx.add.f32.msk $0xffff, v1;
	v5 =	vand.u32 $0xFFFF, v7  }
0x359: {  	v61 =	vshrl.u32 v9, $0x10;
	[tilespmem:v4+s25+$0x0] =	vst.idx.add.f32.msk $0xffff, v1  }
0x35a: {  	v4 =	vshrl.u32 v7, $0x10;
	[tilespmem:v63+s25+$0x0] =	vst.idx.add.f32.msk $0xffff, v1  }
0x35b: {  	[tilespmem:v2+s25+$0x0] =	vst.idx.add.f32.msk $0xffff, v1  }
0x35c: {  	[tilespmem:v3+s25+$0x0] =	vst.idx.add.f32.msk $0xffff, v1  }
0x35d: {  	[tilespmem:v5+s25+$0x0] =	vst.idx.add.f32.msk $0xffff, v1  }
0x35e: {  	[tilespmem:v61+s25+$0x0] =	vst.idx.add.f32.msk $0xffff, v1  }
0x35f: {  	s3 =	simm.s32 $0x18C0;
	s0 =	simm.s32 $0x0;
	v2 =	vshrl.u32 v11, $0x10;
	v3 =	vand.u32 $0xFFFF, v11;
	[tilespmem:v4+s25+$0x0] =	vst.idx.add.f32.msk $0xffff, v1  }
.LBB2_34:
0x360: {  	v4 =	vld [tilespmem:s3+$0x30]  }
0x361: {  	s0 =	sadd.s32 $0x8, s0;
	v5 =	vld [tilespmem:s3+$0xFFFFFFD0]  }
0x362: {  	p0 =	slt.u32 s0, $0x78;
	v6 =	vld [tilespmem:s3+$0xFFFFFFE0]  }
0x363: {  	v7 =	vld [tilespmem:s3+$0xFFFFFFF0]  }
0x364: {  	v8 =	vld [tilespmem:s3+$0x0]  }
0x365: {  	v9 =	vld [tilespmem:s3+$0x10];
	v10 =	vand.u32 $0xFFFF, v4  }
0x366: {  	v4 =	vshrl.u32 v4, $0x10;
	v11 =	vshrl.u32 v5, $0x10;
	v5 =	vand.u32 $0xFFFF, v5;
	v12 =	vld [tilespmem:s3+$0x20]  }
0x367: {  	v13 =	vld [tilespmem:s3+$0xFFFFFFC0];
	v14 =	vshrl.u32 v6, $0x10;
	v6 =	vand.u32 $0xFFFF, v6  }
0x368: {  	v15 =	vshrl.u32 v7, $0x10;
	v7 =	vand.u32 $0xFFFF, v7;
	[tilespmem:v3+s25+$0x0] =	vst.idx.add.f32.msk $0xffff, v1  }
0x369: {  	v16 =	vshrl.u32 v8, $0x10;
	v8 =	vand.u32 $0xFFFF, v8;
	[tilespmem:v2+s25+$0x0] =	vst.idx.add.f32.msk $0xffff, v1  }
0x36a: {  	v17 =	vshrl.u32 v9, $0x10;
	v9 =	vand.u32 $0xFFFF, v9;
	[tilespmem:v10+s25+$0x0] =	vst.idx.add.f32.msk $0xffff, v1  }
0x36b: {  	v2 =	vshrl.u32 v12, $0x10;
	v3 =	vand.u32 $0xFFFF, v12;
	[tilespmem:v4+s25+$0x0] =	vst.idx.add.f32.msk $0xffff, v1  }
0x36c: {  	v4 =	vshrl.u32 v13, $0x10;
	v10 =	vand.u32 $0xFFFF, v13;
	[tilespmem:v5+s25+$0x0] =	vst.idx.add.f32.msk $0xffff, v1  }
0x36d: {  	[tilespmem:v11+s25+$0x0] =	vst.idx.add.f32.msk $0xffff, v1  }
0x36e: {  	[tilespmem:v6+s25+$0x0] =	vst.idx.add.f32.msk $0xffff, v1  }
0x36f: {  	[tilespmem:v14+s25+$0x0] =	vst.idx.add.f32.msk $0xffff, v1  }
0x370: {  	[tilespmem:v7+s25+$0x0] =	vst.idx.add.f32.msk $0xffff, v1  }
0x371: {  	[tilespmem:v10+s25+$0x0] =	vst.idx.add.f32.msk $0xffff, v1  }
0x372: {  	[tilespmem:v4+s25+$0x0] =	vst.idx.add.f32.msk $0xffff, v1  }
.Ltmp16:
0x373: {  	[tilespmem:v15+s25+$0x0] =	vst.idx.add.f32.msk $0xffff, v1;
	(pc) =	sbr.rel @p0 .LBB2_34-.Ltmp16, $4  }
0x374: {  	[tilespmem:v8+s25+$0x0] =	vst.idx.add.f32.msk $0xffff, v1  }
0x375: {  	[tilespmem:v16+s25+$0x0] =	vst.idx.add.f32.msk $0xffff, v1  }
0x376: {  	[tilespmem:v9+s25+$0x0] =	vst.idx.add.f32.msk $0xffff, v1  }
0x377: {  	s3 =	sadd.s32 $0x80, s3;
	[tilespmem:v17+s25+$0x0] =	vst.idx.add.f32.msk $0xffff, v1  }
0x378: {  	_ =	sdelay $0x3  }
0x379: {  	[tilespmem:v3+s25+$0x0] =	vst.idx.add.f32.msk $0xffff, v1  }
0x37a: {  	s31 =	simm.s32 $0x0;
	[tilespmem:v2+s25+$0x0] =	vst.idx.add.f32.msk $0xffff, v1  }
0x37b: {  	v2 =	vld [tilespmem:s31+$0x2010]  }
0x37c: {  	v3 =	vld [tilespmem:s31+$0x2E11]  }
0x37d: {  	v4 =	vld [tilespmem:s31+$0x2000]  }
0x37e: {  	v5 =	vld [tilespmem:s31+$0x3C12]  }
0x37f: {  	v6 =	vld [tilespmem:s31+$0x2E01]  }
0x380: {  	v7 =	vld [tilespmem:s31+$0x4A13]  }
0x381: {  	v8 =	vld [tilespmem:s31+$0x3C02];
	v2 =	vadd.f32 v3, v2  }
0x382: {  	v3 =	vld [tilespmem:s31+$0x5814]  }
0x383: {  	v9 =	vld [tilespmem:s31+$0x4A03];
	v2 =	vadd.f32 v5, v2  }
0x384: {  	v4 =	vadd.f32 v6, v4;
	v5 =	vld [tilespmem:s31+$0x6615]  }
0x385: {  	v6 =	vld [tilespmem:s31+$0x5804];
	v2 =	vadd.f32 v7, v2  }
0x386: {  	v4 =	vadd.f32 v8, v4;
	v7 =	vld [tilespmem:s31+$0x7416]  }
0x387: {  	v8 =	vld [tilespmem:s31+$0x6605];
	v2 =	vadd.f32 v3, v2  }
0x388: {  	v4 =	vadd.f32 v9, v4;
	v3 =	vld [tilespmem:s31+$0x8217]  }
0x389: {  	v9 =	vld [tilespmem:s31+$0x7406];
	v2 =	vadd.f32 v5, v2  }
0x38a: {  	v4 =	vadd.f32 v6, v4;
	v5 =	vld [tilespmem:s31+$0x9018]  }
0x38b: {  	v6 =	vld [tilespmem:s31+$0x8207];
	v2 =	vadd.f32 v7, v2  }
0x38c: {  	v4 =	vadd.f32 v8, v4;
	v7 =	vld [tilespmem:s31+$0x9E19]  }
0x38d: {  	v8 =	vld [tilespmem:s31+$0x9008];
	v2 =	vadd.f32 v3, v2  }
0x38e: {  	v4 =	vadd.f32 v9, v4;
	v3 =	vld [tilespmem:s31+$0xAC1A]  }
0x38f: {  	v9 =	vld [tilespmem:s31+$0x9E09];
	v2 =	vadd.f32 v5, v2  }
0x390: {  	v10 =	vld [tilespmem:s31+$0xBA1B];
	v4 =	vadd.f32 v6, v4  }
0x391: {  	v6 =	vld [tilespmem:s31+$0xAC0A];
	v2 =	vadd.f32 v7, v2  }
0x392: {  	v4 =	vadd.f32 v8, v4;
	v7 =	vld [tilespmem:s31+$0xC81C]  }
0x393: {  	v8 =	vld [tilespmem:s31+$0xBA0B];
	v2 =	vadd.f32 v3, v2  }
0x394: {  	v11 =	vld [tilespmem:s31+$0xD61D];
	v3 =	vadd.f32 v9, v4  }
0x395: {  	v5 =	vld [tilespmem:s31+$0xC80C];
	v4 =	vadd.f32 v10, v2  }
0x396: {  	v2 =	vld [tilespmem:s31+$0xE41E];
	v6 =	vadd.f32 v6, v3  }
0x397: {  	v3 =	vld [tilespmem:s31+$0xD60D];
	v7 =	vadd.f32 v7, v4  }
0x398: {  	v4 =	vld [tilespmem:s31+$0xF21F];
	v8 =	vadd.f32 v8, v6  }
0x399: {  	s0 =	simm.s32 $0x0;
	s3 =	simm.s32 $0x80;
	v6 =	vld [tilespmem:s31+$0xE40E];
	v7 =	vadd.f32 v11, v7  }
.LBB2_36:
0x39a: {  	s4 =	sshra.s32 s3, $0x2;
	v5 =	vadd.f32 v5, v8;
	v8 =	vld [tilespmem:s31+$0xF20F]  }
0x39b: {  	s0 =	sadd.s32 $0x2, s0;
	v9 =	vld [tilespmem:s4+$0x2010];
	v2 =	vadd.f32 v2, v7  }
0x39c: {  	p0 =	slt.u32 s0, $0xDE;
	v7 =	vld [tilespmem:s4+$0x2E11];
	v3 =	vadd.f32 v3, v5  }
0x39d: {  	v5 =	vld [tilespmem:s4+$0x2000];
	v2 =	vadd.f32 v4, v2  }
0x39e: {  	v4 =	vld [tilespmem:s4+$0x3C12];
	v3 =	vadd.f32 v6, v3  }
0x39f: {  	v6 =	vld [tilespmem:s4+$0x2E01];
	[tilespmem:s31+$0x10090] =	vst v2  }
0x3a0: {  	v2 =	vld [tilespmem:s4+$0x4A13];
	v3 =	vadd.f32 v8, v3  }
0x3a1: {  	v8 =	vld [tilespmem:s4+$0x3C02];
	v7 =	vadd.f32 v7, v9  }
0x3a2: {  	v9 =	vld [tilespmem:s4+$0x5814];
	[tilespmem:s31+$0x10080] =	vst v3;
	s31 =	smov.u32 s4  }
0x3a3: {  	v3 =	vld [tilespmem:s31+$0x4A03];
	v4 =	vadd.f32 v4, v7  }
0x3a4: {  	v5 =	vadd.f32 v6, v5;
	v6 =	vld [tilespmem:s31+$0x6615]  }
0x3a5: {  	v7 =	vld [tilespmem:s31+$0x5804];
	v2 =	vadd.f32 v2, v4  }
0x3a6: {  	v4 =	vadd.f32 v8, v5;
	v5 =	vld [tilespmem:s31+$0x7416]  }
0x3a7: {  	v8 =	vld [tilespmem:s31+$0x6605];
	v2 =	vadd.f32 v9, v2  }
0x3a8: {  	v3 =	vadd.f32 v3, v4;
	v4 =	vld [tilespmem:s31+$0x8217]  }
0x3a9: {  	v9 =	vld [tilespmem:s31+$0x7406];
	v2 =	vadd.f32 v6, v2  }
0x3aa: {  	v3 =	vadd.f32 v7, v3;
	v6 =	vld [tilespmem:s31+$0x9018]  }
0x3ab: {  	v7 =	vld [tilespmem:s31+$0x8207];
	v2 =	vadd.f32 v5, v2  }
0x3ac: {  	v3 =	vadd.f32 v8, v3;
	v5 =	vld [tilespmem:s31+$0x9E19]  }
0x3ad: {  	v8 =	vld [tilespmem:s31+$0x9008];
	v2 =	vadd.f32 v4, v2  }
0x3ae: {  	v3 =	vadd.f32 v9, v3;
	v4 =	vld [tilespmem:s31+$0xAC1A]  }
0x3af: {  	v9 =	vld [tilespmem:s31+$0x9E09];
	v2 =	vadd.f32 v6, v2  }
0x3b0: {  	v3 =	vadd.f32 v7, v3;
	v6 =	vld [tilespmem:s31+$0xBA1B]  }
0x3b1: {  	v7 =	vld [tilespmem:s31+$0xAC0A];
	v2 =	vadd.f32 v5, v2  }
0x3b2: {  	v3 =	vadd.f32 v8, v3;
	v8 =	vld [tilespmem:s31+$0xC81C]  }
0x3b3: {  	v10 =	vld [tilespmem:s31+$0xBA0B];
	v2 =	vadd.f32 v4, v2  }
0x3b4: {  	v3 =	vadd.f32 v9, v3;
	v9 =	vld [tilespmem:s31+$0xD61D]  }
.Ltmp17:
0x3b5: {  	v5 =	vld [tilespmem:s31+$0xC80C];
	v4 =	vadd.f32 v6, v2;
	(pc) =	sbr.rel @p0 .LBB2_36-.Ltmp17, $4  }
0x3b6: {  	v6 =	vadd.f32 v7, v3;
	v2 =	vld [tilespmem:s31+$0xE41E]  }
0x3b7: {  	v3 =	vld [tilespmem:s31+$0xD60D];
	v7 =	vadd.f32 v8, v4  }
0x3b8: {  	v8 =	vadd.f32 v10, v6;
	v4 =	vld [tilespmem:s31+$0xF21F]  }
0x3b9: {  	s3 =	sadd.s32 $0x80, s3;
	v6 =	vld [tilespmem:s31+$0xE40E];
	v7 =	vadd.f32 v9, v7  }
0x3ba: {  	v5 =	vadd.f32 v5, v8  }
0x3bb: {  	v63 =	vld [tilespmem:s31+$0xF20F]  }
0x3bc: {  	v3 =	vadd.f32 v3, v5  }
0x3bd: {  	v2 =	vadd.f32 v2, v7  }
0x3be: {  	v3 =	vadd.f32 v6, v3  }
0x3bf: {  	v2 =	vadd.f32 v4, v2  }
0x3c0: {  	s30 =	sadd.s32 $0x1, s30;
	v3 =	vadd.f32 v63, v3  }
0x3c1: {  	s0 =	simm.s32 $0x80;
	p0 =	sne.s32 s30, s20;
	[tilespmem:s31+$0x10090] =	vst v2  }
.Ltmp18:
0x3c2: {  	s3 =	simm.s32 $0x400;
	s4 =	simm.s32 $0x10080;
	[tilespmem:s31+$0x10080] =	vst v3;
	(pc) =	sbr.rel @p0 .LBB2_1-.Ltmp18, $4  }
0x3c3: {  	[hbm4b:s19+s0] =	stream.strided.scatter [tilespmem:s4], [sflag:$0x5], $0xE00, s3, s0, $0x38;
	[tilespmem:$0x10E80] =	vst v63  }
0x3c4: {  	_ =	swait.ge [sflag:s1], $0xE00  }
0x3c5: {  	[sflag:s1] =	ssyncset.done $0x0  }
0x3c6: {  	[sflag:s1] =	ssyncadd.s32 $0xFFFFF200  }
0x3c7: {  	_ =	sfence.sel $0x180000  }
0x3c8: {  	[bflag:$0x0] =	sbarrier.arrive $0xFFFF  }
0x3c9: {  	_ =	strace $0x90000047  }
0x3ca: {  	s0 =	stileid.u32;
	[bflag:$0x2] =	sbarrier.arrive $0xFFFF  }
0x3cb: {  	p0 =	sne.s32 s0, $0x0;
	s0 =	rddreg [dreg:$0x1]  }
0x3cc: {  	s0 =	sadd.s32 @!p0 $0x100000, s0  }
0x3cd: {  	[sflag:s0] =	ssyncadd.tile.s32 @!p0 $0x1;
	_ =	shalt  }
.Lfunc_end2:
_tile_overlayer_lowered:
.L_overlay_start_2:
0x3ce: {  	(tag) =	ssettag $0x2  }
0x3cf: {  	s0 =	rddreg [dreg:$0x0];
	s2 =	stileid.u32  }
0x3d0: {  	s1 =	rddreg [dreg:$0x1];
	p0 =	sne.s32 s2, $0x0  }
0x3d1: {  	s3 =	rddreg [dreg:$0x2];
	[bflag:$0x3] =	sbarrier.arrive $0xFFFF;
	s2 =	simm.s32 @!p0 $0x1C05  }
0x3d2: {  	[timem:s3], [sflag:s2] =	dma.local @!p0 [hbm:s0], s1  }
0x3d3: {  	s0 =	simm.s32 @!p0 $0x5  }
0x3d4: {  	_ =	swait.ge @!p0 [sflag:s0], s1  }
0x3d5: {  	s1 =	ssub.s32 @!p0 $0x0, s1;
	[sflag:s0] =	ssyncset.done @!p0 $0x0  }
0x3d6: {  	[sflag:s0] =	ssyncadd.s32 @!p0 s1  }
0x3d7: {  	[bflag:$0x3] =	sbarrier.arrive $0xFFFF  }
0x3d8: {  	_ =	shalt  }

</sc_bundles>
